<compile_context>
chip_gen: v7x
topology: tpu7x:2x2x1
jax: 0.10.2.dev20260603
libtpu: 0.0.44.dev20260713+nightly
codegen_flags: <defaults>
</compile_context>

<pallas_src>
import jax
import jax.numpy as jnp
from jax import lax
from jax.experimental import pallas as pl
from jax.experimental.pallas import tpu as pltpu
from jax.experimental.pallas import tpu_sc as plsc

SEQ = 32
DIM = 128
LANES = 16
NWORK = 4
ROWS_PER = SEQ // NWORK


def _emb_body(x_hbm, tok_hbm, pos_hbm, out_hbm, idx_v, rows_v, pos_v, sem, psem):
    wid = lax.axis_index("s")
    base = wid * ROWS_PER
    pos_cp = pltpu.async_copy(pos_hbm.at[pl.ds(base, ROWS_PER)], pos_v, psem)
    pltpu.sync_copy(x_hbm.at[pl.ds(base, ROWS_PER)], idx_v)
    gather = pltpu.async_copy(tok_hbm.at[idx_v], rows_v, sem)
    pos_cp.wait()
    gather.wait()
    for r in range(ROWS_PER):
        for c in range(DIM // LANES):
            sl = pl.ds(c * LANES, LANES)
            rows_v[r, sl] = rows_v[r, sl] + pos_v[r, sl]
    pltpu.sync_copy(rows_v, out_hbm.at[pl.ds(base, ROWS_PER)])


@jax.jit
def kernel(x, tok_embed, pos_embed):
    mesh = plsc.VectorSubcoreMesh(
        core_axis_name="c", subcore_axis_name="s", num_cores=1, num_subcores=NWORK
    )
    f = pl.kernel(
        _emb_body,
        out_type=jax.ShapeDtypeStruct((SEQ, DIM), jnp.float32),
        mesh=mesh,
        scratch_types=[
            pltpu.VMEM((ROWS_PER,), jnp.int32),
            pltpu.VMEM((ROWS_PER, DIM), jnp.float32),
            pltpu.VMEM((ROWS_PER, DIM), jnp.float32),
            pltpu.SemaphoreType.DMA,
            pltpu.SemaphoreType.DMA,
        ],
    )
    return f(x.astype(jnp.int32), tok_embed, pos_embed)

# --- scband reference (transcript-rebuilt; emitter-appended) ---
"""Pipeline reference for scband-embeddings-12730283065398 (READ-ONLY COPY).

The authoritative reference and input builder live on the scoring server;
editing this copy changes nothing except your own understanding.
"""

import jax, jax.numpy as jnp
import numpy as np

VOCAB = 1000000
DIM = 128
MAX_POS = 32
SEQ_LEN = 32


def setup_inputs(seed: int = 0) -> dict:
    key = jax.random.key(seed)
    k1, k2, k3 = jax.random.split(key, 3)
    x = jax.random.randint(k1, (SEQ_LEN,), 0, VOCAB, dtype=jnp.int64 if jax.config.jax_enable_x64 else jnp.int32)
    tok_embed = jax.random.normal(k2, (VOCAB, DIM), dtype=jnp.float32) * 0.02
    pos_embed = jax.random.normal(k3, (MAX_POS, DIM), dtype=jnp.float32) * 0.02
    return {"x": x, "tok_embed": tok_embed, "pos_embed": pos_embed}


def reference(x, tok_embed, pos_embed):
    # Faithful translation of Embeddings.forward:
    #   seq_len = x.size(0); pos = arange(seq_len)
    #   e = tok_embed(x) + pos_embed(pos)
    seq_len = x.shape[0]
    pos = jnp.arange(seq_len, dtype=x.dtype)
    e = jnp.take(tok_embed, x, axis=0) + jnp.take(pos_embed, pos, axis=0)
    return e

if __name__ == "__main__":
    import jax
    _d = setup_inputs()
    print(jax.jit(kernel)(*tuple(_d.values())))

</pallas_src>

<mosaic_0001>
#map = affine_map<(d0, d1) -> (0)>
#map1 = affine_map<(d0, d1) -> (0, 0)>
module attributes {stable_mosaic.version = 14 : i64} {
  func.func @_emb_body(%arg0: i32, %arg1: i32, %arg2: memref<32xi32, #tpu.memory_space<hbm>>, %arg3: memref<1000000x128xf32, #tpu.memory_space<hbm>>, %arg4: memref<32x128xf32, #tpu.memory_space<hbm>>, %arg5: memref<32x128xf32, #tpu.memory_space<hbm>>, %arg6: memref<8xi32, #tpu.memory_space<vmem>>, %arg7: memref<8x128xf32, #tpu.memory_space<vmem>>, %arg8: memref<8x128xf32, #tpu.memory_space<vmem>>, %arg9: memref<!tpu.dma_semaphore, #tpu.memory_space<semaphore_mem>>, %arg10: memref<!tpu.dma_semaphore, #tpu.memory_space<semaphore_mem>>) attributes {dimension_semantics = [#tpu.dimension_semantics<core_parallel>, #tpu.dimension_semantics<subcore_parallel>], iteration_bounds = array<i64: 1, 4>, scalar_prefetch = 0 : i64, scratch_operands = 5 : i64, tpu.core_type = #tpu.core_type<sc_vector_subcore>, window_params = [{transform_indices = #map}, {transform_indices = #map1}, {transform_indices = #map1}, {transform_indices = #map1}]} {
    %mul3A = arith.constant 8 : i32
    %mul3A_0 = arith.muli %arg1, %mul3A : i32
    %dma_start3A = arith.constant 0 : i32
    %dma_start3A_1 = tpu.memref_slice %arg4[%mul3A_0, %dma_start3A] : memref<32x128xf32, #tpu.memory_space<hbm>> -> memref<8x128xf32, #tpu.memory_space<hbm>>
    %dma_start3A_2 = arith.constant 0 : i32
    %dma_start3A_3 = tpu.memref_slice %arg4[%mul3A_0, %dma_start3A_2] : memref<32x128xf32, #tpu.memory_space<hbm>> -> memref<8x128xf32, #tpu.memory_space<hbm>>
    tpu.enqueue_dma source(%dma_start3A_3 : memref<8x128xf32, #tpu.memory_space<hbm>>) target(%arg8 : memref<8x128xf32, #tpu.memory_space<vmem>>) target_semaphore(%arg10 : memref<!tpu.dma_semaphore, #tpu.memory_space<semaphore_mem>>)
    "tpu.region"() ({
      %run_scoped3A = tpu.sem_alloc : memref<!tpu.dma_semaphore, #tpu.memory_space<semaphore_mem>>
      %dma_start3A_1098 = tpu.memref_slice %arg2[%mul3A_0] : memref<32xi32, #tpu.memory_space<hbm>> -> memref<8xi32, #tpu.memory_space<hbm>>
      %dma_start3A_1099 = tpu.memref_slice %arg2[%mul3A_0] : memref<32xi32, #tpu.memory_space<hbm>> -> memref<8xi32, #tpu.memory_space<hbm>>
      tpu.enqueue_dma source(%dma_start3A_1099 : memref<8xi32, #tpu.memory_space<hbm>>) target(%arg6 : memref<8xi32, #tpu.memory_space<vmem>>) target_semaphore(%run_scoped3A : memref<!tpu.dma_semaphore, #tpu.memory_space<semaphore_mem>>)
      %dma_wait3A_1100 = tpu.memref_slice %arg2[%mul3A_0] : memref<32xi32, #tpu.memory_space<hbm>> -> memref<8xi32, #tpu.memory_space<hbm>>
      %dma_wait3A_1101 = tpu.memref_slice %arg2[%mul3A_0] : memref<32xi32, #tpu.memory_space<hbm>> -> memref<8xi32, #tpu.memory_space<hbm>>
      tpu.wait_dma2 semaphore(%run_scoped3A : memref<!tpu.dma_semaphore, #tpu.memory_space<semaphore_mem>>) src(%dma_wait3A_1101 : memref<8xi32, #tpu.memory_space<hbm>>) dst(%arg6 : memref<8xi32, #tpu.memory_space<vmem>>)
      tpu.yield
    }) : () -> ()
    %dma_start3A_4 = arith.constant 0 : i32
    %dma_start3A_5 = arith.constant 0 : i32
    %dma_start3A_6 = tpu.memref_slice %arg3[%dma_start3A_4, %dma_start3A_5] : memref<1000000x128xf32, #tpu.memory_space<hbm>> -> memref<1000000x128xf32, #tpu.memory_space<hbm>>
    tpu.enqueue_indirect_dma source(%dma_start3A_6 : memref<1000000x128xf32, #tpu.memory_space<hbm>>) target(%arg7 : memref<8x128xf32, #tpu.memory_space<vmem>>) offsets(%arg6 : memref<8xi32, #tpu.memory_space<vmem>>) semaphore(%arg9 : memref<!tpu.dma_semaphore, #tpu.memory_space<semaphore_mem>>)
    %dma_wait3A = arith.constant 0 : i32
    %dma_wait3A_7 = tpu.memref_slice %arg4[%mul3A_0, %dma_wait3A] : memref<32x128xf32, #tpu.memory_space<hbm>> -> memref<8x128xf32, #tpu.memory_space<hbm>>
    %dma_wait3A_8 = arith.constant 0 : i32
    %dma_wait3A_9 = tpu.memref_slice %arg4[%mul3A_0, %dma_wait3A_8] : memref<32x128xf32, #tpu.memory_space<hbm>> -> memref<8x128xf32, #tpu.memory_space<hbm>>
    tpu.wait_dma2 semaphore(%arg10 : memref<!tpu.dma_semaphore, #tpu.memory_space<semaphore_mem>>) src(%dma_wait3A_9 : memref<8x128xf32, #tpu.memory_space<hbm>>) dst(%arg8 : memref<8x128xf32, #tpu.memory_space<vmem>>)
    %dma_wait3A_10 = arith.constant 0 : i32
    %dma_wait3A_11 = arith.constant 0 : i32
    %dma_wait3A_12 = tpu.memref_slice %arg3[%dma_wait3A_10, %dma_wait3A_11] : memref<1000000x128xf32, #tpu.memory_space<hbm>> -> memref<1000000x128xf32, #tpu.memory_space<hbm>>
    tpu.wait_indirect_dma semaphore(%arg9 : memref<!tpu.dma_semaphore, #tpu.memory_space<semaphore_mem>>) src(%dma_wait3A_12 : memref<1000000x128xf32, #tpu.memory_space<hbm>>) dst(%arg7 : memref<8x128xf32, #tpu.memory_space<vmem>>)
    %get3A = arith.constant 0 : i32
    %get3A_13 = arith.index_cast %get3A : i32 to index
    %get3A_14 = arith.constant 0 : index
    %get3A_15 = tpu.vector_load %arg7[%get3A_13, %get3A_14] {strides = array<i32>} : memref<8x128xf32, #tpu.memory_space<vmem>>, vector<1x16xf32>,
    %get3A_16 = vector.shape_cast %get3A_15 : vector<1x16xf32> to vector<16xf32>
    %get3A_17 = arith.constant 0 : i32
    %get3A_18 = arith.index_cast %get3A_17 : i32 to index
    %get3A_19 = arith.constant 0 : index
    %get3A_20 = tpu.vector_load %arg8[%get3A_18, %get3A_19] {strides = array<i32>} : memref<8x128xf32, #tpu.memory_space<vmem>>, vector<1x16xf32>,
    %get3A_21 = vector.shape_cast %get3A_20 : vector<1x16xf32> to vector<16xf32>
    %add3A = arith.addf %get3A_16, %get3A_21 : vector<16xf32>
    %swap3A = arith.constant 0 : i32
    %swap3A_22 = arith.index_cast %swap3A : i32 to index
    %swap3A_23 = arith.constant 0 : index
    %swap3A_24 = tpu.vector_load %arg7[%swap3A_22, %swap3A_23] {strides = array<i32>} : memref<8x128xf32, #tpu.memory_space<vmem>>, vector<1x16xf32>,
    %swap3A_25 = vector.shape_cast %swap3A_24 : vector<1x16xf32> to vector<16xf32>
    %swap3A_26 = vector.shape_cast %add3A : vector<16xf32> to vector<1x16xf32>
    tpu.vector_store %arg7[%swap3A_22, %swap3A_23], %swap3A_26 {strides = array<i32>} : memref<8x128xf32, #tpu.memory_space<vmem>>, vector<1x16xf32>,
    %get3A_27 = arith.constant 0 : i32
    %get3A_28 = arith.index_cast %get3A_27 : i32 to index
    %get3A_29 = arith.constant 16 : index
    %get3A_30 = tpu.vector_load %arg7[%get3A_28, %get3A_29] {strides = array<i32>} : memref<8x128xf32, #tpu.memory_space<vmem>>, vector<1x16xf32>,
    %get3A_31 = vector.shape_cast %get3A_30 : vector<1x16xf32> to vector<16xf32>
    %get3A_32 = arith.constant 0 : i32
    %get3A_33 = arith.index_cast %get3A_32 : i32 to index
    %get3A_34 = arith.constant 16 : index
    %get3A_35 = tpu.vector_load %arg8[%get3A_33, %get3A_34] {strides = array<i32>} : memref<8x128xf32, #tpu.memory_space<vmem>>, vector<1x16xf32>,
    %get3A_36 = vector.shape_cast %get3A_35 : vector<1x16xf32> to vector<16xf32>
    %add3A_37 = arith.addf %get3A_31, %get3A_36 : vector<16xf32>
    %swap3A_38 = arith.constant 0 : i32
    %swap3A_39 = arith.index_cast %swap3A_38 : i32 to index
    %swap3A_40 = arith.constant 16 : index
    %swap3A_41 = tpu.vector_load %arg7[%swap3A_39, %swap3A_40] {strides = array<i32>} : memref<8x128xf32, #tpu.memory_space<vmem>>, vector<1x16xf32>,
    %swap3A_42 = vector.shape_cast %swap3A_41 : vector<1x16xf32> to vector<16xf32>
    %swap3A_43 = vector.shape_cast %add3A_37 : vector<16xf32> to vector<1x16xf32>
    tpu.vector_store %arg7[%swap3A_39, %swap3A_40], %swap3A_43 {strides = array<i32>} : memref<8x128xf32, #tpu.memory_space<vmem>>, vector<1x16xf32>,
    %get3A_44 = arith.constant 0 : i32
    %get3A_45 = arith.index_cast %get3A_44 : i32 to index
    %get3A_46 = arith.constant 32 : index
    %get3A_47 = tpu.vector_load %arg7[%get3A_45, %get3A_46] {strides = array<i32>} : memref<8x128xf32, #tpu.memory_space<vmem>>, vector<1x16xf32>,
    %get3A_48 = vector.shape_cast %get3A_47 : vector<1x16xf32> to vector<16xf32>
    %get3A_49 = arith.constant 0 : i32
    %get3A_50 = arith.index_cast %get3A_49 : i32 to index
    %get3A_51 = arith.constant 32 : index
    %get3A_52 = tpu.vector_load %arg8[%get3A_50, %get3A_51] {strides = array<i32>} : memref<8x128xf32, #tpu.memory_space<vmem>>, vector<1x16xf32>,
    %get3A_53 = vector.shape_cast %get3A_52 : vector<1x16xf32> to vector<16xf32>
    %add3A_54 = arith.addf %get3A_48, %get3A_53 : vector<16xf32>
    %swap3A_55 = arith.constant 0 : i32
    %swap3A_56 = arith.index_cast %swap3A_55 : i32 to index
    %swap3A_57 = arith.constant 32 : index
    %swap3A_58 = tpu.vector_load %arg7[%swap3A_56, %swap3A_57] {strides = array<i32>} : memref<8x128xf32, #tpu.memory_space<vmem>>, vector<1x16xf32>,
    %swap3A_59 = vector.shape_cast %swap3A_58 : vector<1x16xf32> to vector<16xf32>
    %swap3A_60 = vector.shape_cast %add3A_54 : vector<16xf32> to vector<1x16xf32>
    tpu.vector_store %arg7[%swap3A_56, %swap3A_57], %swap3A_60 {strides = array<i32>} : memref<8x128xf32, #tpu.memory_space<vmem>>, vector<1x16xf32>,
    %get3A_61 = arith.constant 0 : i32
    %get3A_62 = arith.index_cast %get3A_61 : i32 to index
    %get3A_63 = arith.constant 48 : index
    %get3A_64 = tpu.vector_load %arg7[%get3A_62, %get3A_63] {strides = array<i32>} : memref<8x128xf32, #tpu.memory_space<vmem>>, vector<1x16xf32>,
    %get3A_65 = vector.shape_cast %get3A_64 : vector<1x16xf32> to vector<16xf32>
    %get3A_66 = arith.constant 0 : i32
    %get3A_67 = arith.index_cast %get3A_66 : i32 to index
    %get3A_68 = arith.constant 48 : index
    %get3A_69 = tpu.vector_load %arg8[%get3A_67, %get3A_68] {strides = array<i32>} : memref<8x128xf32, #tpu.memory_space<vmem>>, vector<1x16xf32>,
    %get3A_70 = vector.shape_cast %get3A_69 : vector<1x16xf32> to vector<16xf32>
    %add3A_71 = arith.addf %get3A_65, %get3A_70 : vector<16xf32>
    %swap3A_72 = arith.constant 0 : i32
    %swap3A_73 = arith.index_cast %swap3A_72 : i32 to index
    %swap3A_74 = arith.constant 48 : index
    %swap3A_75 = tpu.vector_load %arg7[%swap3A_73, %swap3A_74] {strides = array<i32>} : memref<8x128xf32, #tpu.memory_space<vmem>>, vector<1x16xf32>,
    %swap3A_76 = vector.shape_cast %swap3A_75 : vector<1x16xf32> to vector<16xf32>
    %swap3A_77 = vector.shape_cast %add3A_71 : vector<16xf32> to vector<1x16xf32>
    tpu.vector_store %arg7[%swap3A_73, %swap3A_74], %swap3A_77 {strides = array<i32>} : memref<8x128xf32, #tpu.memory_space<vmem>>, vector<1x16xf32>,
    %get3A_78 = arith.constant 0 : i32
    %get3A_79 = arith.index_cast %get3A_78 : i32 to index
    %get3A_80 = arith.constant 64 : index
    %get3A_81 = tpu.vector_load %arg7[%get3A_79, %get3A_80] {strides = array<i32>} : memref<8x128xf32, #tpu.memory_space<vmem>>, vector<1x16xf32>,
    %get3A_82 = vector.shape_cast %get3A_81 : vector<1x16xf32> to vector<16xf32>
    %get3A_83 = arith.constant 0 : i32
    %get3A_84 = arith.index_cast %get3A_83 : i32 to index
    %get3A_85 = arith.constant 64 : index
    %get3A_86 = tpu.vector_load %arg8[%get3A_84, %get3A_85] {strides = array<i32>} : memref<8x128xf32, #tpu.memory_space<vmem>>, vector<1x16xf32>,
    %get3A_87 = vector.shape_cast %get3A_86 : vector<1x16xf32> to vector<16xf32>
    %add3A_88 = arith.addf %get3A_82, %get3A_87 : vector<16xf32>
    %swap3A_89 = arith.constant 0 : i32
    %swap3A_90 = arith.index_cast %swap3A_89 : i32 to index
    %swap3A_91 = arith.constant 64 : index
    %swap3A_92 = tpu.vector_load %arg7[%swap3A_90, %swap3A_91] {strides = array<i32>} : memref<8x128xf32, #tpu.memory_space<vmem>>, vector<1x16xf32>,
    %swap3A_93 = vector.shape_cast %swap3A_92 : vector<1x16xf32> to vector<16xf32>
    %swap3A_94 = vector.shape_cast %add3A_88 : vector<16xf32> to vector<1x16xf32>
    tpu.vector_store %arg7[%swap3A_90, %swap3A_91], %swap3A_94 {strides = array<i32>} : memref<8x128xf32, #tpu.memory_space<vmem>>, vector<1x16xf32>,
    %get3A_95 = arith.constant 0 : i32
    %get3A_96 = arith.index_cast %get3A_95 : i32 to index
    %get3A_97 = arith.constant 80 : index
    %get3A_98 = tpu.vector_load %arg7[%get3A_96, %get3A_97] {strides = array<i32>} : memref<8x128xf32, #tpu.memory_space<vmem>>, vector<1x16xf32>,
    %get3A_99 = vector.shape_cast %get3A_98 : vector<1x16xf32> to vector<16xf32>
    %get3A_100 = arith.constant 0 : i32
    %get3A_101 = arith.index_cast %get3A_100 : i32 to index
    %get3A_102 = arith.constant 80 : index
    %get3A_103 = tpu.vector_load %arg8[%get3A_101, %get3A_102] {strides = array<i32>} : memref<8x128xf32, #tpu.memory_space<vmem>>, vector<1x16xf32>,
    %get3A_104 = vector.shape_cast %get3A_103 : vector<1x16xf32> to vector<16xf32>
    %add3A_105 = arith.addf %get3A_99, %get3A_104 : vector<16xf32>
    %swap3A_106 = arith.constant 0 : i32
    %swap3A_107 = arith.index_cast %swap3A_106 : i32 to index
    %swap3A_108 = arith.constant 80 : index
    %swap3A_109 = tpu.vector_load %arg7[%swap3A_107, %swap3A_108] {strides = array<i32>} : memref<8x128xf32, #tpu.memory_space<vmem>>, vector<1x16xf32>,
    %swap3A_110 = vector.shape_cast %swap3A_109 : vector<1x16xf32> to vector<16xf32>
    %swap3A_111 = vector.shape_cast %add3A_105 : vector<16xf32> to vector<1x16xf32>
    tpu.vector_store %arg7[%swap3A_107, %swap3A_108], %swap3A_111 {strides = array<i32>} : memref<8x128xf32, #tpu.memory_space<vmem>>, vector<1x16xf32>,
    %get3A_112 = arith.constant 0 : i32
    %get3A_113 = arith.index_cast %get3A_112 : i32 to index
    %get3A_114 = arith.constant 96 : index
    %get3A_115 = tpu.vector_load %arg7[%get3A_113, %get3A_114] {strides = array<i32>} : memref<8x128xf32, #tpu.memory_space<vmem>>, vector<1x16xf32>,
    %get3A_116 = vector.shape_cast %get3A_115 : vector<1x16xf32> to vector<16xf32>
    %get3A_117 = arith.constant 0 : i32
    %get3A_118 = arith.index_cast %get3A_117 : i32 to index
    %get3A_119 = arith.constant 96 : index
    %get3A_120 = tpu.vector_load %arg8[%get3A_118, %get3A_119] {strides = array<i32>} : memref<8x128xf32, #tpu.memory_space<vmem>>, vector<1x16xf32>,
    %get3A_121 = vector.shape_cast %get3A_120 : vector<1x16xf32> to vector<16xf32>
    %add3A_122 = arith.addf %get3A_116, %get3A_121 : vector<16xf32>
    %swap3A_123 = arith.constant 0 : i32
    %swap3A_124 = arith.index_cast %swap3A_123 : i32 to index
    %swap3A_125 = arith.constant 96 : index
    %swap3A_126 = tpu.vector_load %arg7[%swap3A_124, %swap3A_125] {strides = array<i32>} : memref<8x128xf32, #tpu.memory_space<vmem>>, vector<1x16xf32>,
    %swap3A_127 = vector.shape_cast %swap3A_126 : vector<1x16xf32> to vector<16xf32>
    %swap3A_128 = vector.shape_cast %add3A_122 : vector<16xf32> to vector<1x16xf32>
    tpu.vector_store %arg7[%swap3A_124, %swap3A_125], %swap3A_128 {strides = array<i32>} : memref<8x128xf32, #tpu.memory_space<vmem>>, vector<1x16xf32>,
    %get3A_129 = arith.constant 0 : i32
    %get3A_130 = arith.index_cast %get3A_129 : i32 to index
    %get3A_131 = arith.constant 112 : index
    %get3A_132 = tpu.vector_load %arg7[%get3A_130, %get3A_131] {strides = array<i32>} : memref<8x128xf32, #tpu.memory_space<vmem>>, vector<1x16xf32>,
    %get3A_133 = vector.shape_cast %get3A_132 : vector<1x16xf32> to vector<16xf32>
    %get3A_134 = arith.constant 0 : i32
    %get3A_135 = arith.index_cast %get3A_134 : i32 to index
    %get3A_136 = arith.constant 112 : index
    %get3A_137 = tpu.vector_load %arg8[%get3A_135, %get3A_136] {strides = array<i32>} : memref<8x128xf32, #tpu.memory_space<vmem>>, vector<1x16xf32>,
    %get3A_138 = vector.shape_cast %get3A_137 : vector<1x16xf32> to vector<16xf32>
    %add3A_139 = arith.addf %get3A_133, %get3A_138 : vector<16xf32>
    %swap3A_140 = arith.constant 0 : i32
    %swap3A_141 = arith.index_cast %swap3A_140 : i32 to index
    %swap3A_142 = arith.constant 112 : index
    %swap3A_143 = tpu.vector_load %arg7[%swap3A_141, %swap3A_142] {strides = array<i32>} : memref<8x128xf32, #tpu.memory_space<vmem>>, vector<1x16xf32>,
    %swap3A_144 = vector.shape_cast %swap3A_143 : vector<1x16xf32> to vector<16xf32>
    %swap3A_145 = vector.shape_cast %add3A_139 : vector<16xf32> to vector<1x16xf32>
    tpu.vector_store %arg7[%swap3A_141, %swap3A_142], %swap3A_145 {strides = array<i32>} : memref<8x128xf32, #tpu.memory_space<vmem>>, vector<1x16xf32>,
    %get3A_146 = arith.constant 1 : i32
    %get3A_147 = arith.index_cast %get3A_146 : i32 to index
    %get3A_148 = arith.constant 0 : index
    %get3A_149 = tpu.vector_load %arg7[%get3A_147, %get3A_148] {strides = array<i32>} : memref<8x128xf32, #tpu.memory_space<vmem>>, vector<1x16xf32>,
    %get3A_150 = vector.shape_cast %get3A_149 : vector<1x16xf32> to vector<16xf32>
    %get3A_151 = arith.constant 1 : i32
    %get3A_152 = arith.index_cast %get3A_151 : i32 to index
    %get3A_153 = arith.constant 0 : index
    %get3A_154 = tpu.vector_load %arg8[%get3A_152, %get3A_153] {strides = array<i32>} : memref<8x128xf32, #tpu.memory_space<vmem>>, vector<1x16xf32>,
    %get3A_155 = vector.shape_cast %get3A_154 : vector<1x16xf32> to vector<16xf32>
    %add3A_156 = arith.addf %get3A_150, %get3A_155 : vector<16xf32>
    %swap3A_157 = arith.constant 1 : i32
    %swap3A_158 = arith.index_cast %swap3A_157 : i32 to index
    %swap3A_159 = arith.constant 0 : index
    %swap3A_160 = tpu.vector_load %arg7[%swap3A_158, %swap3A_159] {strides = array<i32>} : memref<8x128xf32, #tpu.memory_space<vmem>>, vector<1x16xf32>,
    %swap3A_161 = vector.shape_cast %swap3A_160 : vector<1x16xf32> to vector<16xf32>
    %swap3A_162 = vector.shape_cast %add3A_156 : vector<16xf32> to vector<1x16xf32>
    tpu.vector_store %arg7[%swap3A_158, %swap3A_159], %swap3A_162 {strides = array<i32>} : memref<8x128xf32, #tpu.memory_space<vmem>>, vector<1x16xf32>,
    %get3A_163 = arith.constant 1 : i32
    %get3A_164 = arith.index_cast %get3A_163 : i32 to index
    %get3A_165 = arith.constant 16 : index
    %get3A_166 = tpu.vector_load %arg7[%get3A_164, %get3A_165] {strides = array<i32>} : memref<8x128xf32, #tpu.memory_space<vmem>>, vector<1x16xf32>,
    %get3A_167 = vector.shape_cast %get3A_166 : vector<1x16xf32> to vector<16xf32>
    %get3A_168 = arith.constant 1 : i32
    %get3A_169 = arith.index_cast %get3A_168 : i32 to index
    %get3A_170 = arith.constant 16 : index
    %get3A_171 = tpu.vector_load %arg8[%get3A_169, %get3A_170] {strides = array<i32>} : memref<8x128xf32, #tpu.memory_space<vmem>>, vector<1x16xf32>,
    %get3A_172 = vector.shape_cast %get3A_171 : vector<1x16xf32> to vector<16xf32>
    %add3A_173 = arith.addf %get3A_167, %get3A_172 : vector<16xf32>
    %swap3A_174 = arith.constant 1 : i32
    %swap3A_175 = arith.index_cast %swap3A_174 : i32 to index
    %swap3A_176 = arith.constant 16 : index
    %swap3A_177 = tpu.vector_load %arg7[%swap3A_175, %swap3A_176] {strides = array<i32>} : memref<8x128xf32, #tpu.memory_space<vmem>>, vector<1x16xf32>,
    %swap3A_178 = vector.shape_cast %swap3A_177 : vector<1x16xf32> to vector<16xf32>
    %swap3A_179 = vector.shape_cast %add3A_173 : vector<16xf32> to vector<1x16xf32>
    tpu.vector_store %arg7[%swap3A_175, %swap3A_176], %swap3A_179 {strides = array<i32>} : memref<8x128xf32, #tpu.memory_space<vmem>>, vector<1x16xf32>,
    %get3A_180 = arith.constant 1 : i32
    %get3A_181 = arith.index_cast %get3A_180 : i32 to index
    %get3A_182 = arith.constant 32 : index
    %get3A_183 = tpu.vector_load %arg7[%get3A_181, %get3A_182] {strides = array<i32>} : memref<8x128xf32, #tpu.memory_space<vmem>>, vector<1x16xf32>,
    %get3A_184 = vector.shape_cast %get3A_183 : vector<1x16xf32> to vector<16xf32>
    %get3A_185 = arith.constant 1 : i32
    %get3A_186 = arith.index_cast %get3A_185 : i32 to index
    %get3A_187 = arith.constant 32 : index
    %get3A_188 = tpu.vector_load %arg8[%get3A_186, %get3A_187] {strides = array<i32>} : memref<8x128xf32, #tpu.memory_space<vmem>>, vector<1x16xf32>,
    %get3A_189 = vector.shape_cast %get3A_188 : vector<1x16xf32> to vector<16xf32>
    %add3A_190 = arith.addf %get3A_184, %get3A_189 : vector<16xf32>
    %swap3A_191 = arith.constant 1 : i32
    %swap3A_192 = arith.index_cast %swap3A_191 : i32 to index
    %swap3A_193 = arith.constant 32 : index
    %swap3A_194 = tpu.vector_load %arg7[%swap3A_192, %swap3A_193] {strides = array<i32>} : memref<8x128xf32, #tpu.memory_space<vmem>>, vector<1x16xf32>,
    %swap3A_195 = vector.shape_cast %swap3A_194 : vector<1x16xf32> to vector<16xf32>
    %swap3A_196 = vector.shape_cast %add3A_190 : vector<16xf32> to vector<1x16xf32>
    tpu.vector_store %arg7[%swap3A_192, %swap3A_193], %swap3A_196 {strides = array<i32>} : memref<8x128xf32, #tpu.memory_space<vmem>>, vector<1x16xf32>,
    %get3A_197 = arith.constant 1 : i32
    %get3A_198 = arith.index_cast %get3A_197 : i32 to index
    %get3A_199 = arith.constant 48 : index
    %get3A_200 = tpu.vector_load %arg7[%get3A_198, %get3A_199] {strides = array<i32>} : memref<8x128xf32, #tpu.memory_space<vmem>>, vector<1x16xf32>,
    %get3A_201 = vector.shape_cast %get3A_200 : vector<1x16xf32> to vector<16xf32>
    %get3A_202 = arith.constant 1 : i32
    %get3A_203 = arith.index_cast %get3A_202 : i32 to index
    %get3A_204 = arith.constant 48 : index
    %get3A_205 = tpu.vector_load %arg8[%get3A_203, %get3A_204] {strides = array<i32>} : memref<8x128xf32, #tpu.memory_space<vmem>>, vector<1x16xf32>,
    %get3A_206 = vector.shape_cast %get3A_205 : vector<1x16xf32> to vector<16xf32>
    %add3A_207 = arith.addf %get3A_201, %get3A_206 : vector<16xf32>
    %swap3A_208 = arith.constant 1 : i32
    %swap3A_209 = arith.index_cast %swap3A_208 : i32 to index
    %swap3A_210 = arith.constant 48 : index
    %swap3A_211 = tpu.vector_load %arg7[%swap3A_209, %swap3A_210] {strides = array<i32>} : memref<8x128xf32, #tpu.memory_space<vmem>>, vector<1x16xf32>,
    %swap3A_212 = vector.shape_cast %swap3A_211 : vector<1x16xf32> to vector<16xf32>
    %swap3A_213 = vector.shape_cast %add3A_207 : vector<16xf32> to vector<1x16xf32>
    tpu.vector_store %arg7[%swap3A_209, %swap3A_210], %swap3A_213 {strides = array<i32>} : memref<8x128xf32, #tpu.memory_space<vmem>>, vector<1x16xf32>,
    %get3A_214 = arith.constant 1 : i32
    %get3A_215 = arith.index_cast %get3A_214 : i32 to index
    %get3A_216 = arith.constant 64 : index
    %get3A_217 = tpu.vector_load %arg7[%get3A_215, %get3A_216] {strides = array<i32>} : memref<8x128xf32, #tpu.memory_space<vmem>>, vector<1x16xf32>,
    %get3A_218 = vector.shape_cast %get3A_217 : vector<1x16xf32> to vector<16xf32>
    %get3A_219 = arith.constant 1 : i32
    %get3A_220 = arith.index_cast %get3A_219 : i32 to index
    %get3A_221 = arith.constant 64 : index
    %get3A_222 = tpu.vector_load %arg8[%get3A_220, %get3A_221] {strides = array<i32>} : memref<8x128xf32, #tpu.memory_space<vmem>>, vector<1x16xf32>,
    %get3A_223 = vector.shape_cast %get3A_222 : vector<1x16xf32> to vector<16xf32>
    %add3A_224 = arith.addf %get3A_218, %get3A_223 : vector<16xf32>
    %swap3A_225 = arith.constant 1 : i32
    %swap3A_226 = arith.index_cast %swap3A_225 : i32 to index
    %swap3A_227 = arith.constant 64 : index
    %swap3A_228 = tpu.vector_load %arg7[%swap3A_226, %swap3A_227] {strides = array<i32>} : memref<8x128xf32, #tpu.memory_space<vmem>>, vector<1x16xf32>,
    %swap3A_229 = vector.shape_cast %swap3A_228 : vector<1x16xf32> to vector<16xf32>
    %swap3A_230 = vector.shape_cast %add3A_224 : vector<16xf32> to vector<1x16xf32>
    tpu.vector_store %arg7[%swap3A_226, %swap3A_227], %swap3A_230 {strides = array<i32>} : memref<8x128xf32, #tpu.memory_space<vmem>>, vector<1x16xf32>,
    %get3A_231 = arith.constant 1 : i32
    %get3A_232 = arith.index_cast %get3A_231 : i32 to index
    %get3A_233 = arith.constant 80 : index
    %get3A_234 = tpu.vector_load %arg7[%get3A_232, %get3A_233] {strides = array<i32>} : memref<8x128xf32, #tpu.memory_space<vmem>>, vector<1x16xf32>,
    %get3A_235 = vector.shape_cast %get3A_234 : vector<1x16xf32> to vector<16xf32>
    %get3A_236 = arith.constant 1 : i32
    %get3A_237 = arith.index_cast %get3A_236 : i32 to index
    %get3A_238 = arith.constant 80 : index
    %get3A_239 = tpu.vector_load %arg8[%get3A_237, %get3A_238] {strides = array<i32>} : memref<8x128xf32, #tpu.memory_space<vmem>>, vector<1x16xf32>,
    %get3A_240 = vector.shape_cast %get3A_239 : vector<1x16xf32> to vector<16xf32>
    %add3A_241 = arith.addf %get3A_235, %get3A_240 : vector<16xf32>
    %swap3A_242 = arith.constant 1 : i32
    %swap3A_243 = arith.index_cast %swap3A_242 : i32 to index
    %swap3A_244 = arith.constant 80 : index
    %swap3A_245 = tpu.vector_load %arg7[%swap3A_243, %swap3A_244] {strides = array<i32>} : memref<8x128xf32, #tpu.memory_space<vmem>>, vector<1x16xf32>,
    %swap3A_246 = vector.shape_cast %swap3A_245 : vector<1x16xf32> to vector<16xf32>
    %swap3A_247 = vector.shape_cast %add3A_241 : vector<16xf32> to vector<1x16xf32>
    tpu.vector_store %arg7[%swap3A_243, %swap3A_244], %swap3A_247 {strides = array<i32>} : memref<8x128xf32, #tpu.memory_space<vmem>>, vector<1x16xf32>,
    %get3A_248 = arith.constant 1 : i32
    %get3A_249 = arith.index_cast %get3A_248 : i32 to index
    %get3A_250 = arith.constant 96 : index
    %get3A_251 = tpu.vector_load %arg7[%get3A_249, %get3A_250] {strides = array<i32>} : memref<8x128xf32, #tpu.memory_space<vmem>>, vector<1x16xf32>,
    %get3A_252 = vector.shape_cast %get3A_251 : vector<1x16xf32> to vector<16xf32>
    %get3A_253 = arith.constant 1 : i32
    %get3A_254 = arith.index_cast %get3A_253 : i32 to index
    %get3A_255 = arith.constant 96 : index
    %get3A_256 = tpu.vector_load %arg8[%get3A_254, %get3A_255] {strides = array<i32>} : memref<8x128xf32, #tpu.memory_space<vmem>>, vector<1x16xf32>,
    %get3A_257 = vector.shape_cast %get3A_256 : vector<1x16xf32> to vector<16xf32>
    %add3A_258 = arith.addf %get3A_252, %get3A_257 : vector<16xf32>
    %swap3A_259 = arith.constant 1 : i32
    %swap3A_260 = arith.index_cast %swap3A_259 : i32 to index
    %swap3A_261 = arith.constant 96 : index
    %swap3A_262 = tpu.vector_load %arg7[%swap3A_260, %swap3A_261] {strides = array<i32>} : memref<8x128xf32, #tpu.memory_space<vmem>>, vector<1x16xf32>,
    %swap3A_263 = vector.shape_cast %swap3A_262 : vector<1x16xf32> to vector<16xf32>
    %swap3A_264 = vector.shape_cast %add3A_258 : vector<16xf32> to vector<1x16xf32>
    tpu.vector_store %arg7[%swap3A_260, %swap3A_261], %swap3A_264 {strides = array<i32>} : memref<8x128xf32, #tpu.memory_space<vmem>>, vector<1x16xf32>,
    %get3A_265 = arith.constant 1 : i32
    %get3A_266 = arith.index_cast %get3A_265 : i32 to index
    %get3A_267 = arith.constant 112 : index
    %get3A_268 = tpu.vector_load %arg7[%get3A_266, %get3A_267] {strides = array<i32>} : memref<8x128xf32, #tpu.memory_space<vmem>>, vector<1x16xf32>,
    %get3A_269 = vector.shape_cast %get3A_268 : vector<1x16xf32> to vector<16xf32>
    %get3A_270 = arith.constant 1 : i32
    %get3A_271 = arith.index_cast %get3A_270 : i32 to index
    %get3A_272 = arith.constant 112 : index
    %get3A_273 = tpu.vector_load %arg8[%get3A_271, %get3A_272] {strides = array<i32>} : memref<8x128xf32, #tpu.memory_space<vmem>>, vector<1x16xf32>,
    %get3A_274 = vector.shape_cast %get3A_273 : vector<1x16xf32> to vector<16xf32>
    %add3A_275 = arith.addf %get3A_269, %get3A_274 : vector<16xf32>
    %swap3A_276 = arith.constant 1 : i32
    %swap3A_277 = arith.index_cast %swap3A_276 : i32 to index
    %swap3A_278 = arith.constant 112 : index
    %swap3A_279 = tpu.vector_load %arg7[%swap3A_277, %swap3A_278] {strides = array<i32>} : memref<8x128xf32, #tpu.memory_space<vmem>>, vector<1x16xf32>,
    %swap3A_280 = vector.shape_cast %swap3A_279 : vector<1x16xf32> to vector<16xf32>
    %swap3A_281 = vector.shape_cast %add3A_275 : vector<16xf32> to vector<1x16xf32>
    tpu.vector_store %arg7[%swap3A_277, %swap3A_278], %swap3A_281 {strides = array<i32>} : memref<8x128xf32, #tpu.memory_space<vmem>>, vector<1x16xf32>,
    %get3A_282 = arith.constant 2 : i32
    %get3A_283 = arith.index_cast %get3A_282 : i32 to index
    %get3A_284 = arith.constant 0 : index
    %get3A_285 = tpu.vector_load %arg7[%get3A_283, %get3A_284] {strides = array<i32>} : memref<8x128xf32, #tpu.memory_space<vmem>>, vector<1x16xf32>,
    %get3A_286 = vector.shape_cast %get3A_285 : vector<1x16xf32> to vector<16xf32>
    %get3A_287 = arith.constant 2 : i32
    %get3A_288 = arith.index_cast %get3A_287 : i32 to index
    %get3A_289 = arith.constant 0 : index
    %get3A_290 = tpu.vector_load %arg8[%get3A_288, %get3A_289] {strides = array<i32>} : memref<8x128xf32, #tpu.memory_space<vmem>>, vector<1x16xf32>,
    %get3A_291 = vector.shape_cast %get3A_290 : vector<1x16xf32> to vector<16xf32>
    %add3A_292 = arith.addf %get3A_286, %get3A_291 : vector<16xf32>
    %swap3A_293 = arith.constant 2 : i32
    %swap3A_294 = arith.index_cast %swap3A_293 : i32 to index
    %swap3A_295 = arith.constant 0 : index
    %swap3A_296 = tpu.vector_load %arg7[%swap3A_294, %swap3A_295] {strides = array<i32>} : memref<8x128xf32, #tpu.memory_space<vmem>>, vector<1x16xf32>,
    %swap3A_297 = vector.shape_cast %swap3A_296 : vector<1x16xf32> to vector<16xf32>
    %swap3A_298 = vector.shape_cast %add3A_292 : vector<16xf32> to vector<1x16xf32>
    tpu.vector_store %arg7[%swap3A_294, %swap3A_295], %swap3A_298 {strides = array<i32>} : memref<8x128xf32, #tpu.memory_space<vmem>>, vector<1x16xf32>,
    %get3A_299 = arith.constant 2 : i32
    %get3A_300 = arith.index_cast %get3A_299 : i32 to index
    %get3A_301 = arith.constant 16 : index
    %get3A_302 = tpu.vector_load %arg7[%get3A_300, %get3A_301] {strides = array<i32>} : memref<8x128xf32, #tpu.memory_space<vmem>>, vector<1x16xf32>,
    %get3A_303 = vector.shape_cast %get3A_302 : vector<1x16xf32> to vector<16xf32>
    %get3A_304 = arith.constant 2 : i32
    %get3A_305 = arith.index_cast %get3A_304 : i32 to index
    %get3A_306 = arith.constant 16 : index
    %get3A_307 = tpu.vector_load %arg8[%get3A_305, %get3A_306] {strides = array<i32>} : memref<8x128xf32, #tpu.memory_space<vmem>>, vector<1x16xf32>,
    %get3A_308 = vector.shape_cast %get3A_307 : vector<1x16xf32> to vector<16xf32>
    %add3A_309 = arith.addf %get3A_303, %get3A_308 : vector<16xf32>
    %swap3A_310 = arith.constant 2 : i32
    %swap3A_311 = arith.index_cast %swap3A_310 : i32 to index
    %swap3A_312 = arith.constant 16 : index
    %swap3A_313 = tpu.vector_load %arg7[%swap3A_311, %swap3A_312] {strides = array<i32>} : memref<8x128xf32, #tpu.memory_space<vmem>>, vector<1x16xf32>,
    %swap3A_314 = vector.shape_cast %swap3A_313 : vector<1x16xf32> to vector<16xf32>
    %swap3A_315 = vector.shape_cast %add3A_309 : vector<16xf32> to vector<1x16xf32>
    tpu.vector_store %arg7[%swap3A_311, %swap3A_312], %swap3A_315 {strides = array<i32>} : memref<8x128xf32, #tpu.memory_space<vmem>>, vector<1x16xf32>,
    %get3A_316 = arith.constant 2 : i32
    %get3A_317 = arith.index_cast %get3A_316 : i32 to index
    %get3A_318 = arith.constant 32 : index
    %get3A_319 = tpu.vector_load %arg7[%get3A_317, %get3A_318] {strides = array<i32>} : memref<8x128xf32, #tpu.memory_space<vmem>>, vector<1x16xf32>,
    %get3A_320 = vector.shape_cast %get3A_319 : vector<1x16xf32> to vector<16xf32>
    %get3A_321 = arith.constant 2 : i32
    %get3A_322 = arith.index_cast %get3A_321 : i32 to index
    %get3A_323 = arith.constant 32 : index
    %get3A_324 = tpu.vector_load %arg8[%get3A_322, %get3A_323] {strides = array<i32>} : memref<8x128xf32, #tpu.memory_space<vmem>>, vector<1x16xf32>,
    %get3A_325 = vector.shape_cast %get3A_324 : vector<1x16xf32> to vector<16xf32>
    %add3A_326 = arith.addf %get3A_320, %get3A_325 : vector<16xf32>
    %swap3A_327 = arith.constant 2 : i32
    %swap3A_328 = arith.index_cast %swap3A_327 : i32 to index
    %swap3A_329 = arith.constant 32 : index
    %swap3A_330 = tpu.vector_load %arg7[%swap3A_328, %swap3A_329] {strides = array<i32>} : memref<8x128xf32, #tpu.memory_space<vmem>>, vector<1x16xf32>,
    %swap3A_331 = vector.shape_cast %swap3A_330 : vector<1x16xf32> to vector<16xf32>
    %swap3A_332 = vector.shape_cast %add3A_326 : vector<16xf32> to vector<1x16xf32>
    tpu.vector_store %arg7[%swap3A_328, %swap3A_329], %swap3A_332 {strides = array<i32>} : memref<8x128xf32, #tpu.memory_space<vmem>>, vector<1x16xf32>,
    %get3A_333 = arith.constant 2 : i32
    %get3A_334 = arith.index_cast %get3A_333 : i32 to index
    %get3A_335 = arith.constant 48 : index
    %get3A_336 = tpu.vector_load %arg7[%get3A_334, %get3A_335] {strides = array<i32>} : memref<8x128xf32, #tpu.memory_space<vmem>>, vector<1x16xf32>,
    %get3A_337 = vector.shape_cast %get3A_336 : vector<1x16xf32> to vector<16xf32>
    %get3A_338 = arith.constant 2 : i32
    %get3A_339 = arith.index_cast %get3A_338 : i32 to index
    %get3A_340 = arith.constant 48 : index
    %get3A_341 = tpu.vector_load %arg8[%get3A_339, %get3A_340] {strides = array<i32>} : memref<8x128xf32, #tpu.memory_space<vmem>>, vector<1x16xf32>,
    %get3A_342 = vector.shape_cast %get3A_341 : vector<1x16xf32> to vector<16xf32>
    %add3A_343 = arith.addf %get3A_337, %get3A_342 : vector<16xf32>
    %swap3A_344 = arith.constant 2 : i32
    %swap3A_345 = arith.index_cast %swap3A_344 : i32 to index
    %swap3A_346 = arith.constant 48 : index
    %swap3A_347 = tpu.vector_load %arg7[%swap3A_345, %swap3A_346] {strides = array<i32>} : memref<8x128xf32, #tpu.memory_space<vmem>>, vector<1x16xf32>,
    %swap3A_348 = vector.shape_cast %swap3A_347 : vector<1x16xf32> to vector<16xf32>
    %swap3A_349 = vector.shape_cast %add3A_343 : vector<16xf32> to vector<1x16xf32>
    tpu.vector_store %arg7[%swap3A_345, %swap3A_346], %swap3A_349 {strides = array<i32>} : memref<8x128xf32, #tpu.memory_space<vmem>>, vector<1x16xf32>,
    %get3A_350 = arith.constant 2 : i32
    %get3A_351 = arith.index_cast %get3A_350 : i32 to index
    %get3A_352 = arith.constant 64 : index
    %get3A_353 = tpu.vector_load %arg7[%get3A_351, %get3A_352] {strides = array<i32>} : memref<8x128xf32, #tpu.memory_space<vmem>>, vector<1x16xf32>,
    %get3A_354 = vector.shape_cast %get3A_353 : vector<1x16xf32> to vector<16xf32>
    %get3A_355 = arith.constant 2 : i32
    %get3A_356 = arith.index_cast %get3A_355 : i32 to index
    %get3A_357 = arith.constant 64 : index
    %get3A_358 = tpu.vector_load %arg8[%get3A_356, %get3A_357] {strides = array<i32>} : memref<8x128xf32, #tpu.memory_space<vmem>>, vector<1x16xf32>,
    %get3A_359 = vector.shape_cast %get3A_358 : vector<1x16xf32> to vector<16xf32>
    %add3A_360 = arith.addf %get3A_354, %get3A_359 : vector<16xf32>
    %swap3A_361 = arith.constant 2 : i32
    %swap3A_362 = arith.index_cast %swap3A_361 : i32 to index
    %swap3A_363 = arith.constant 64 : index
    %swap3A_364 = tpu.vector_load %arg7[%swap3A_362, %swap3A_363] {strides = array<i32>} : memref<8x128xf32, #tpu.memory_space<vmem>>, vector<1x16xf32>,
    %swap3A_365 = vector.shape_cast %swap3A_364 : vector<1x16xf32> to vector<16xf32>
    %swap3A_366 = vector.shape_cast %add3A_360 : vector<16xf32> to vector<1x16xf32>
    tpu.vector_store %arg7[%swap3A_362, %swap3A_363], %swap3A_366 {strides = array<i32>} : memref<8x128xf32, #tpu.memory_space<vmem>>, vector<1x16xf32>,
    %get3A_367 = arith.constant 2 : i32
    %get3A_368 = arith.index_cast %get3A_367 : i32 to index
    %get3A_369 = arith.constant 80 : index
    %get3A_370 = tpu.vector_load %arg7[%get3A_368, %get3A_369] {strides = array<i32>} : memref<8x128xf32, #tpu.memory_space<vmem>>, vector<1x16xf32>,
    %get3A_371 = vector.shape_cast %get3A_370 : vector<1x16xf32> to vector<16xf32>
    %get3A_372 = arith.constant 2 : i32
    %get3A_373 = arith.index_cast %get3A_372 : i32 to index
    %get3A_374 = arith.constant 80 : index
    %get3A_375 = tpu.vector_load %arg8[%get3A_373, %get3A_374] {strides = array<i32>} : memref<8x128xf32, #tpu.memory_space<vmem>>, vector<1x16xf32>,
    %get3A_376 = vector.shape_cast %get3A_375 : vector<1x16xf32> to vector<16xf32>
    %add3A_377 = arith.addf %get3A_371, %get3A_376 : vector<16xf32>
    %swap3A_378 = arith.constant 2 : i32
    %swap3A_379 = arith.index_cast %swap3A_378 : i32 to index
    %swap3A_380 = arith.constant 80 : index
    %swap3A_381 = tpu.vector_load %arg7[%swap3A_379, %swap3A_380] {strides = array<i32>} : memref<8x128xf32, #tpu.memory_space<vmem>>, vector<1x16xf32>,
    %swap3A_382 = vector.shape_cast %swap3A_381 : vector<1x16xf32> to vector<16xf32>
    %swap3A_383 = vector.shape_cast %add3A_377 : vector<16xf32> to vector<1x16xf32>
    tpu.vector_store %arg7[%swap3A_379, %swap3A_380], %swap3A_383 {strides = array<i32>} : memref<8x128xf32, #tpu.memory_space<vmem>>, vector<1x16xf32>,
    %get3A_384 = arith.constant 2 : i32
    %get3A_385 = arith.index_cast %get3A_384 : i32 to index
    %get3A_386 = arith.constant 96 : index
    %get3A_387 = tpu.vector_load %arg7[%get3A_385, %get3A_386] {strides = array<i32>} : memref<8x128xf32, #tpu.memory_space<vmem>>, vector<1x16xf32>,
    %get3A_388 = vector.shape_cast %get3A_387 : vector<1x16xf32> to vector<16xf32>
    %get3A_389 = arith.constant 2 : i32
    %get3A_390 = arith.index_cast %get3A_389 : i32 to index
    %get3A_391 = arith.constant 96 : index
    %get3A_392 = tpu.vector_load %arg8[%get3A_390, %get3A_391] {strides = array<i32>} : memref<8x128xf32, #tpu.memory_space<vmem>>, vector<1x16xf32>,
    %get3A_393 = vector.shape_cast %get3A_392 : vector<1x16xf32> to vector<16xf32>
    %add3A_394 = arith.addf %get3A_388, %get3A_393 : vector<16xf32>
    %swap3A_395 = arith.constant 2 : i32
    %swap3A_396 = arith.index_cast %swap3A_395 : i32 to index
    %swap3A_397 = arith.constant 96 : index
    %swap3A_398 = tpu.vector_load %arg7[%swap3A_396, %swap3A_397] {strides = array<i32>} : memref<8x128xf32, #tpu.memory_space<vmem>>, vector<1x16xf32>,
    %swap3A_399 = vector.shape_cast %swap3A_398 : vector<1x16xf32> to vector<16xf32>
    %swap3A_400 = vector.shape_cast %add3A_394 : vector<16xf32> to vector<1x16xf32>
    tpu.vector_store %arg7[%swap3A_396, %swap3A_397], %swap3A_400 {strides = array<i32>} : memref<8x128xf32, #tpu.memory_space<vmem>>, vector<1x16xf32>,
    %get3A_401 = arith.constant 2 : i32
    %get3A_402 = arith.index_cast %get3A_401 : i32 to index
    %get3A_403 = arith.constant 112 : index
    %get3A_404 = tpu.vector_load %arg7[%get3A_402, %get3A_403] {strides = array<i32>} : memref<8x128xf32, #tpu.memory_space<vmem>>, vector<1x16xf32>,
    %get3A_405 = vector.shape_cast %get3A_404 : vector<1x16xf32> to vector<16xf32>
    %get3A_406 = arith.constant 2 : i32
    %get3A_407 = arith.index_cast %get3A_406 : i32 to index
    %get3A_408 = arith.constant 112 : index
    %get3A_409 = tpu.vector_load %arg8[%get3A_407, %get3A_408] {strides = array<i32>} : memref<8x128xf32, #tpu.memory_space<vmem>>, vector<1x16xf32>,
    %get3A_410 = vector.shape_cast %get3A_409 : vector<1x16xf32> to vector<16xf32>
    %add3A_411 = arith.addf %get3A_405, %get3A_410 : vector<16xf32>
    %swap3A_412 = arith.constant 2 : i32
    %swap3A_413 = arith.index_cast %swap3A_412 : i32 to index
    %swap3A_414 = arith.constant 112 : index
    %swap3A_415 = tpu.vector_load %arg7[%swap3A_413, %swap3A_414] {strides = array<i32>} : memref<8x128xf32, #tpu.memory_space<vmem>>, vector<1x16xf32>,
    %swap3A_416 = vector.shape_cast %swap3A_415 : vector<1x16xf32> to vector<16xf32>
    %swap3A_417 = vector.shape_cast %add3A_411 : vector<16xf32> to vector<1x16xf32>
    tpu.vector_store %arg7[%swap3A_413, %swap3A_414], %swap3A_417 {strides = array<i32>} : memref<8x128xf32, #tpu.memory_space<vmem>>, vector<1x16xf32>,
    %get3A_418 = arith.constant 3 : i32
    %get3A_419 = arith.index_cast %get3A_418 : i32 to index
    %get3A_420 = arith.constant 0 : index
    %get3A_421 = tpu.vector_load %arg7[%get3A_419, %get3A_420] {strides = array<i32>} : memref<8x128xf32, #tpu.memory_space<vmem>>, vector<1x16xf32>,
    %get3A_422 = vector.shape_cast %get3A_421 : vector<1x16xf32> to vector<16xf32>
    %get3A_423 = arith.constant 3 : i32
    %get3A_424 = arith.index_cast %get3A_423 : i32 to index
    %get3A_425 = arith.constant 0 : index
    %get3A_426 = tpu.vector_load %arg8[%get3A_424, %get3A_425] {strides = array<i32>} : memref<8x128xf32, #tpu.memory_space<vmem>>, vector<1x16xf32>,
    %get3A_427 = vector.shape_cast %get3A_426 : vector<1x16xf32> to vector<16xf32>
    %add3A_428 = arith.addf %get3A_422, %get3A_427 : vector<16xf32>
    %swap3A_429 = arith.constant 3 : i32
    %swap3A_430 = arith.index_cast %swap3A_429 : i32 to index
    %swap3A_431 = arith.constant 0 : index
    %swap3A_432 = tpu.vector_load %arg7[%swap3A_430, %swap3A_431] {strides = array<i32>} : memref<8x128xf32, #tpu.memory_space<vmem>>, vector<1x16xf32>,
    %swap3A_433 = vector.shape_cast %swap3A_432 : vector<1x16xf32> to vector<16xf32>
    %swap3A_434 = vector.shape_cast %add3A_428 : vector<16xf32> to vector<1x16xf32>
    tpu.vector_store %arg7[%swap3A_430, %swap3A_431], %swap3A_434 {strides = array<i32>} : memref<8x128xf32, #tpu.memory_space<vmem>>, vector<1x16xf32>,
    %get3A_435 = arith.constant 3 : i32
    %get3A_436 = arith.index_cast %get3A_435 : i32 to index
    %get3A_437 = arith.constant 16 : index
    %get3A_438 = tpu.vector_load %arg7[%get3A_436, %get3A_437] {strides = array<i32>} : memref<8x128xf32, #tpu.memory_space<vmem>>, vector<1x16xf32>,
    %get3A_439 = vector.shape_cast %get3A_438 : vector<1x16xf32> to vector<16xf32>
    %get3A_440 = arith.constant 3 : i32
    %get3A_441 = arith.index_cast %get3A_440 : i32 to index
    %get3A_442 = arith.constant 16 : index
    %get3A_443 = tpu.vector_load %arg8[%get3A_441, %get3A_442] {strides = array<i32>} : memref<8x128xf32, #tpu.memory_space<vmem>>, vector<1x16xf32>,
    %get3A_444 = vector.shape_cast %get3A_443 : vector<1x16xf32> to vector<16xf32>
    %add3A_445 = arith.addf %get3A_439, %get3A_444 : vector<16xf32>
    %swap3A_446 = arith.constant 3 : i32
    %swap3A_447 = arith.index_cast %swap3A_446 : i32 to index
    %swap3A_448 = arith.constant 16 : index
    %swap3A_449 = tpu.vector_load %arg7[%swap3A_447, %swap3A_448] {strides = array<i32>} : memref<8x128xf32, #tpu.memory_space<vmem>>, vector<1x16xf32>,
    %swap3A_450 = vector.shape_cast %swap3A_449 : vector<1x16xf32> to vector<16xf32>
    %swap3A_451 = vector.shape_cast %add3A_445 : vector<16xf32> to vector<1x16xf32>
    tpu.vector_store %arg7[%swap3A_447, %swap3A_448], %swap3A_451 {strides = array<i32>} : memref<8x128xf32, #tpu.memory_space<vmem>>, vector<1x16xf32>,
    %get3A_452 = arith.constant 3 : i32
    %get3A_453 = arith.index_cast %get3A_452 : i32 to index
    %get3A_454 = arith.constant 32 : index
    %get3A_455 = tpu.vector_load %arg7[%get3A_453, %get3A_454] {strides = array<i32>} : memref<8x128xf32, #tpu.memory_space<vmem>>, vector<1x16xf32>,
    %get3A_456 = vector.shape_cast %get3A_455 : vector<1x16xf32> to vector<16xf32>
    %get3A_457 = arith.constant 3 : i32
    %get3A_458 = arith.index_cast %get3A_457 : i32 to index
    %get3A_459 = arith.constant 32 : index
    %get3A_460 = tpu.vector_load %arg8[%get3A_458, %get3A_459] {strides = array<i32>} : memref<8x128xf32, #tpu.memory_space<vmem>>, vector<1x16xf32>,
    %get3A_461 = vector.shape_cast %get3A_460 : vector<1x16xf32> to vector<16xf32>
    %add3A_462 = arith.addf %get3A_456, %get3A_461 : vector<16xf32>
    %swap3A_463 = arith.constant 3 : i32
    %swap3A_464 = arith.index_cast %swap3A_463 : i32 to index
    %swap3A_465 = arith.constant 32 : index
    %swap3A_466 = tpu.vector_load %arg7[%swap3A_464, %swap3A_465] {strides = array<i32>} : memref<8x128xf32, #tpu.memory_space<vmem>>, vector<1x16xf32>,
    %swap3A_467 = vector.shape_cast %swap3A_466 : vector<1x16xf32> to vector<16xf32>
    %swap3A_468 = vector.shape_cast %add3A_462 : vector<16xf32> to vector<1x16xf32>
    tpu.vector_store %arg7[%swap3A_464, %swap3A_465], %swap3A_468 {strides = array<i32>} : memref<8x128xf32, #tpu.memory_space<vmem>>, vector<1x16xf32>,
    %get3A_469 = arith.constant 3 : i32
    %get3A_470 = arith.index_cast %get3A_469 : i32 to index
    %get3A_471 = arith.constant 48 : index
    %get3A_472 = tpu.vector_load %arg7[%get3A_470, %get3A_471] {strides = array<i32>} : memref<8x128xf32, #tpu.memory_space<vmem>>, vector<1x16xf32>,
    %get3A_473 = vector.shape_cast %get3A_472 : vector<1x16xf32> to vector<16xf32>
    %get3A_474 = arith.constant 3 : i32
    %get3A_475 = arith.index_cast %get3A_474 : i32 to index
    %get3A_476 = arith.constant 48 : index
    %get3A_477 = tpu.vector_load %arg8[%get3A_475, %get3A_476] {strides = array<i32>} : memref<8x128xf32, #tpu.memory_space<vmem>>, vector<1x16xf32>,
    %get3A_478 = vector.shape_cast %get3A_477 : vector<1x16xf32> to vector<16xf32>
    %add3A_479 = arith.addf %get3A_473, %get3A_478 : vector<16xf32>
    %swap3A_480 = arith.constant 3 : i32
    %swap3A_481 = arith.index_cast %swap3A_480 : i32 to index
    %swap3A_482 = arith.constant 48 : index
    %swap3A_483 = tpu.vector_load %arg7[%swap3A_481, %swap3A_482] {strides = array<i32>} : memref<8x128xf32, #tpu.memory_space<vmem>>, vector<1x16xf32>,
    %swap3A_484 = vector.shape_cast %swap3A_483 : vector<1x16xf32> to vector<16xf32>
    %swap3A_485 = vector.shape_cast %add3A_479 : vector<16xf32> to vector<1x16xf32>
    tpu.vector_store %arg7[%swap3A_481, %swap3A_482], %swap3A_485 {strides = array<i32>} : memref<8x128xf32, #tpu.memory_space<vmem>>, vector<1x16xf32>,
    %get3A_486 = arith.constant 3 : i32
    %get3A_487 = arith.index_cast %get3A_486 : i32 to index
    %get3A_488 = arith.constant 64 : index
    %get3A_489 = tpu.vector_load %arg7[%get3A_487, %get3A_488] {strides = array<i32>} : memref<8x128xf32, #tpu.memory_space<vmem>>, vector<1x16xf32>,
    %get3A_490 = vector.shape_cast %get3A_489 : vector<1x16xf32> to vector<16xf32>
    %get3A_491 = arith.constant 3 : i32
    %get3A_492 = arith.index_cast %get3A_491 : i32 to index
    %get3A_493 = arith.constant 64 : index
    %get3A_494 = tpu.vector_load %arg8[%get3A_492, %get3A_493] {strides = array<i32>} : memref<8x128xf32, #tpu.memory_space<vmem>>, vector<1x16xf32>,
    %get3A_495 = vector.shape_cast %get3A_494 : vector<1x16xf32> to vector<16xf32>
    %add3A_496 = arith.addf %get3A_490, %get3A_495 : vector<16xf32>
    %swap3A_497 = arith.constant 3 : i32
    %swap3A_498 = arith.index_cast %swap3A_497 : i32 to index
    %swap3A_499 = arith.constant 64 : index
    %swap3A_500 = tpu.vector_load %arg7[%swap3A_498, %swap3A_499] {strides = array<i32>} : memref<8x128xf32, #tpu.memory_space<vmem>>, vector<1x16xf32>,
    %swap3A_501 = vector.shape_cast %swap3A_500 : vector<1x16xf32> to vector<16xf32>
    %swap3A_502 = vector.shape_cast %add3A_496 : vector<16xf32> to vector<1x16xf32>
    tpu.vector_store %arg7[%swap3A_498, %swap3A_499], %swap3A_502 {strides = array<i32>} : memref<8x128xf32, #tpu.memory_space<vmem>>, vector<1x16xf32>,
    %get3A_503 = arith.constant 3 : i32
    %get3A_504 = arith.index_cast %get3A_503 : i32 to index
    %get3A_505 = arith.constant 80 : index
    %get3A_506 = tpu.vector_load %arg7[%get3A_504, %get3A_505] {strides = array<i32>} : memref<8x128xf32, #tpu.memory_space<vmem>>, vector<1x16xf32>,
    %get3A_507 = vector.shape_cast %get3A_506 : vector<1x16xf32> to vector<16xf32>
    %get3A_508 = arith.constant 3 : i32
    %get3A_509 = arith.index_cast %get3A_508 : i32 to index
    %get3A_510 = arith.constant 80 : index
    %get3A_511 = tpu.vector_load %arg8[%get3A_509, %get3A_510] {strides = array<i32>} : memref<8x128xf32, #tpu.memory_space<vmem>>, vector<1x16xf32>,
    %get3A_512 = vector.shape_cast %get3A_511 : vector<1x16xf32> to vector<16xf32>
    %add3A_513 = arith.addf %get3A_507, %get3A_512 : vector<16xf32>
    %swap3A_514 = arith.constant 3 : i32
    %swap3A_515 = arith.index_cast %swap3A_514 : i32 to index
    %swap3A_516 = arith.constant 80 : index
    %swap3A_517 = tpu.vector_load %arg7[%swap3A_515, %swap3A_516] {strides = array<i32>} : memref<8x128xf32, #tpu.memory_space<vmem>>, vector<1x16xf32>,
    %swap3A_518 = vector.shape_cast %swap3A_517 : vector<1x16xf32> to vector<16xf32>
    %swap3A_519 = vector.shape_cast %add3A_513 : vector<16xf32> to vector<1x16xf32>
    tpu.vector_store %arg7[%swap3A_515, %swap3A_516], %swap3A_519 {strides = array<i32>} : memref<8x128xf32, #tpu.memory_space<vmem>>, vector<1x16xf32>,
    %get3A_520 = arith.constant 3 : i32
    %get3A_521 = arith.index_cast %get3A_520 : i32 to index
    %get3A_522 = arith.constant 96 : index
    %get3A_523 = tpu.vector_load %arg7[%get3A_521, %get3A_522] {strides = array<i32>} : memref<8x128xf32, #tpu.memory_space<vmem>>, vector<1x16xf32>,
    %get3A_524 = vector.shape_cast %get3A_523 : vector<1x16xf32> to vector<16xf32>
    %get3A_525 = arith.constant 3 : i32
    %get3A_526 = arith.index_cast %get3A_525 : i32 to index
    %get3A_527 = arith.constant 96 : index
    %get3A_528 = tpu.vector_load %arg8[%get3A_526, %get3A_527] {strides = array<i32>} : memref<8x128xf32, #tpu.memory_space<vmem>>, vector<1x16xf32>,
    %get3A_529 = vector.shape_cast %get3A_528 : vector<1x16xf32> to vector<16xf32>
    %add3A_530 = arith.addf %get3A_524, %get3A_529 : vector<16xf32>
    %swap3A_531 = arith.constant 3 : i32
    %swap3A_532 = arith.index_cast %swap3A_531 : i32 to index
    %swap3A_533 = arith.constant 96 : index
    %swap3A_534 = tpu.vector_load %arg7[%swap3A_532, %swap3A_533] {strides = array<i32>} : memref<8x128xf32, #tpu.memory_space<vmem>>, vector<1x16xf32>,
    %swap3A_535 = vector.shape_cast %swap3A_534 : vector<1x16xf32> to vector<16xf32>
    %swap3A_536 = vector.shape_cast %add3A_530 : vector<16xf32> to vector<1x16xf32>
    tpu.vector_store %arg7[%swap3A_532, %swap3A_533], %swap3A_536 {strides = array<i32>} : memref<8x128xf32, #tpu.memory_space<vmem>>, vector<1x16xf32>,
    %get3A_537 = arith.constant 3 : i32
    %get3A_538 = arith.index_cast %get3A_537 : i32 to index
    %get3A_539 = arith.constant 112 : index
    %get3A_540 = tpu.vector_load %arg7[%get3A_538, %get3A_539] {strides = array<i32>} : memref<8x128xf32, #tpu.memory_space<vmem>>, vector<1x16xf32>,
    %get3A_541 = vector.shape_cast %get3A_540 : vector<1x16xf32> to vector<16xf32>
    %get3A_542 = arith.constant 3 : i32
    %get3A_543 = arith.index_cast %get3A_542 : i32 to index
    %get3A_544 = arith.constant 112 : index
    %get3A_545 = tpu.vector_load %arg8[%get3A_543, %get3A_544] {strides = array<i32>} : memref<8x128xf32, #tpu.memory_space<vmem>>, vector<1x16xf32>,
    %get3A_546 = vector.shape_cast %get3A_545 : vector<1x16xf32> to vector<16xf32>
    %add3A_547 = arith.addf %get3A_541, %get3A_546 : vector<16xf32>
    %swap3A_548 = arith.constant 3 : i32
    %swap3A_549 = arith.index_cast %swap3A_548 : i32 to index
    %swap3A_550 = arith.constant 112 : index
    %swap3A_551 = tpu.vector_load %arg7[%swap3A_549, %swap3A_550] {strides = array<i32>} : memref<8x128xf32, #tpu.memory_space<vmem>>, vector<1x16xf32>,
    %swap3A_552 = vector.shape_cast %swap3A_551 : vector<1x16xf32> to vector<16xf32>
    %swap3A_553 = vector.shape_cast %add3A_547 : vector<16xf32> to vector<1x16xf32>
    tpu.vector_store %arg7[%swap3A_549, %swap3A_550], %swap3A_553 {strides = array<i32>} : memref<8x128xf32, #tpu.memory_space<vmem>>, vector<1x16xf32>,
    %get3A_554 = arith.constant 4 : i32
    %get3A_555 = arith.index_cast %get3A_554 : i32 to index
    %get3A_556 = arith.constant 0 : index
    %get3A_557 = tpu.vector_load %arg7[%get3A_555, %get3A_556] {strides = array<i32>} : memref<8x128xf32, #tpu.memory_space<vmem>>, vector<1x16xf32>,
    %get3A_558 = vector.shape_cast %get3A_557 : vector<1x16xf32> to vector<16xf32>
    %get3A_559 = arith.constant 4 : i32
    %get3A_560 = arith.index_cast %get3A_559 : i32 to index
    %get3A_561 = arith.constant 0 : index
    %get3A_562 = tpu.vector_load %arg8[%get3A_560, %get3A_561] {strides = array<i32>} : memref<8x128xf32, #tpu.memory_space<vmem>>, vector<1x16xf32>,
    %get3A_563 = vector.shape_cast %get3A_562 : vector<1x16xf32> to vector<16xf32>
    %add3A_564 = arith.addf %get3A_558, %get3A_563 : vector<16xf32>
    %swap3A_565 = arith.constant 4 : i32
    %swap3A_566 = arith.index_cast %swap3A_565 : i32 to index
    %swap3A_567 = arith.constant 0 : index
    %swap3A_568 = tpu.vector_load %arg7[%swap3A_566, %swap3A_567] {strides = array<i32>} : memref<8x128xf32, #tpu.memory_space<vmem>>, vector<1x16xf32>,
    %swap3A_569 = vector.shape_cast %swap3A_568 : vector<1x16xf32> to vector<16xf32>
    %swap3A_570 = vector.shape_cast %add3A_564 : vector<16xf32> to vector<1x16xf32>
    tpu.vector_store %arg7[%swap3A_566, %swap3A_567], %swap3A_570 {strides = array<i32>} : memref<8x128xf32, #tpu.memory_space<vmem>>, vector<1x16xf32>,
    %get3A_571 = arith.constant 4 : i32
    %get3A_572 = arith.index_cast %get3A_571 : i32 to index
    %get3A_573 = arith.constant 16 : index
    %get3A_574 = tpu.vector_load %arg7[%get3A_572, %get3A_573] {strides = array<i32>} : memref<8x128xf32, #tpu.memory_space<vmem>>, vector<1x16xf32>,
    %get3A_575 = vector.shape_cast %get3A_574 : vector<1x16xf32> to vector<16xf32>
    %get3A_576 = arith.constant 4 : i32
    %get3A_577 = arith.index_cast %get3A_576 : i32 to index
    %get3A_578 = arith.constant 16 : index
    %get3A_579 = tpu.vector_load %arg8[%get3A_577, %get3A_578] {strides = array<i32>} : memref<8x128xf32, #tpu.memory_space<vmem>>, vector<1x16xf32>,
    %get3A_580 = vector.shape_cast %get3A_579 : vector<1x16xf32> to vector<16xf32>
    %add3A_581 = arith.addf %get3A_575, %get3A_580 : vector<16xf32>
    %swap3A_582 = arith.constant 4 : i32
    %swap3A_583 = arith.index_cast %swap3A_582 : i32 to index
    %swap3A_584 = arith.constant 16 : index
    %swap3A_585 = tpu.vector_load %arg7[%swap3A_583, %swap3A_584] {strides = array<i32>} : memref<8x128xf32, #tpu.memory_space<vmem>>, vector<1x16xf32>,
    %swap3A_586 = vector.shape_cast %swap3A_585 : vector<1x16xf32> to vector<16xf32>
    %swap3A_587 = vector.shape_cast %add3A_581 : vector<16xf32> to vector<1x16xf32>
    tpu.vector_store %arg7[%swap3A_583, %swap3A_584], %swap3A_587 {strides = array<i32>} : memref<8x128xf32, #tpu.memory_space<vmem>>, vector<1x16xf32>,
    %get3A_588 = arith.constant 4 : i32
    %get3A_589 = arith.index_cast %get3A_588 : i32 to index
    %get3A_590 = arith.constant 32 : index
    %get3A_591 = tpu.vector_load %arg7[%get3A_589, %get3A_590] {strides = array<i32>} : memref<8x128xf32, #tpu.memory_space<vmem>>, vector<1x16xf32>,
    %get3A_592 = vector.shape_cast %get3A_591 : vector<1x16xf32> to vector<16xf32>
    %get3A_593 = arith.constant 4 : i32
    %get3A_594 = arith.index_cast %get3A_593 : i32 to index
    %get3A_595 = arith.constant 32 : index
    %get3A_596 = tpu.vector_load %arg8[%get3A_594, %get3A_595] {strides = array<i32>} : memref<8x128xf32, #tpu.memory_space<vmem>>, vector<1x16xf32>,
    %get3A_597 = vector.shape_cast %get3A_596 : vector<1x16xf32> to vector<16xf32>
    %add3A_598 = arith.addf %get3A_592, %get3A_597 : vector<16xf32>
    %swap3A_599 = arith.constant 4 : i32
    %swap3A_600 = arith.index_cast %swap3A_599 : i32 to index
    %swap3A_601 = arith.constant 32 : index
    %swap3A_602 = tpu.vector_load %arg7[%swap3A_600, %swap3A_601] {strides = array<i32>} : memref<8x128xf32, #tpu.memory_space<vmem>>, vector<1x16xf32>,
    %swap3A_603 = vector.shape_cast %swap3A_602 : vector<1x16xf32> to vector<16xf32>
    %swap3A_604 = vector.shape_cast %add3A_598 : vector<16xf32> to vector<1x16xf32>
    tpu.vector_store %arg7[%swap3A_600, %swap3A_601], %swap3A_604 {strides = array<i32>} : memref<8x128xf32, #tpu.memory_space<vmem>>, vector<1x16xf32>,
    %get3A_605 = arith.constant 4 : i32
    %get3A_606 = arith.index_cast %get3A_605 : i32 to index
    %get3A_607 = arith.constant 48 : index
    %get3A_608 = tpu.vector_load %arg7[%get3A_606, %get3A_607] {strides = array<i32>} : memref<8x128xf32, #tpu.memory_space<vmem>>, vector<1x16xf32>,
    %get3A_609 = vector.shape_cast %get3A_608 : vector<1x16xf32> to vector<16xf32>
    %get3A_610 = arith.constant 4 : i32
    %get3A_611 = arith.index_cast %get3A_610 : i32 to index
    %get3A_612 = arith.constant 48 : index
    %get3A_613 = tpu.vector_load %arg8[%get3A_611, %get3A_612] {strides = array<i32>} : memref<8x128xf32, #tpu.memory_space<vmem>>, vector<1x16xf32>,
    %get3A_614 = vector.shape_cast %get3A_613 : vector<1x16xf32> to vector<16xf32>
    %add3A_615 = arith.addf %get3A_609, %get3A_614 : vector<16xf32>
    %swap3A_616 = arith.constant 4 : i32
    %swap3A_617 = arith.index_cast %swap3A_616 : i32 to index
    %swap3A_618 = arith.constant 48 : index
    %swap3A_619 = tpu.vector_load %arg7[%swap3A_617, %swap3A_618] {strides = array<i32>} : memref<8x128xf32, #tpu.memory_space<vmem>>, vector<1x16xf32>,
    %swap3A_620 = vector.shape_cast %swap3A_619 : vector<1x16xf32> to vector<16xf32>
    %swap3A_621 = vector.shape_cast %add3A_615 : vector<16xf32> to vector<1x16xf32>
    tpu.vector_store %arg7[%swap3A_617, %swap3A_618], %swap3A_621 {strides = array<i32>} : memref<8x128xf32, #tpu.memory_space<vmem>>, vector<1x16xf32>,
    %get3A_622 = arith.constant 4 : i32
    %get3A_623 = arith.index_cast %get3A_622 : i32 to index
    %get3A_624 = arith.constant 64 : index
    %get3A_625 = tpu.vector_load %arg7[%get3A_623, %get3A_624] {strides = array<i32>} : memref<8x128xf32, #tpu.memory_space<vmem>>, vector<1x16xf32>,
    %get3A_626 = vector.shape_cast %get3A_625 : vector<1x16xf32> to vector<16xf32>
    %get3A_627 = arith.constant 4 : i32
    %get3A_628 = arith.index_cast %get3A_627 : i32 to index
    %get3A_629 = arith.constant 64 : index
    %get3A_630 = tpu.vector_load %arg8[%get3A_628, %get3A_629] {strides = array<i32>} : memref<8x128xf32, #tpu.memory_space<vmem>>, vector<1x16xf32>,
    %get3A_631 = vector.shape_cast %get3A_630 : vector<1x16xf32> to vector<16xf32>
    %add3A_632 = arith.addf %get3A_626, %get3A_631 : vector<16xf32>
    %swap3A_633 = arith.constant 4 : i32
    %swap3A_634 = arith.index_cast %swap3A_633 : i32 to index
    %swap3A_635 = arith.constant 64 : index
    %swap3A_636 = tpu.vector_load %arg7[%swap3A_634, %swap3A_635] {strides = array<i32>} : memref<8x128xf32, #tpu.memory_space<vmem>>, vector<1x16xf32>,
    %swap3A_637 = vector.shape_cast %swap3A_636 : vector<1x16xf32> to vector<16xf32>
    %swap3A_638 = vector.shape_cast %add3A_632 : vector<16xf32> to vector<1x16xf32>
    tpu.vector_store %arg7[%swap3A_634, %swap3A_635], %swap3A_638 {strides = array<i32>} : memref<8x128xf32, #tpu.memory_space<vmem>>, vector<1x16xf32>,
    %get3A_639 = arith.constant 4 : i32
    %get3A_640 = arith.index_cast %get3A_639 : i32 to index
    %get3A_641 = arith.constant 80 : index
    %get3A_642 = tpu.vector_load %arg7[%get3A_640, %get3A_641] {strides = array<i32>} : memref<8x128xf32, #tpu.memory_space<vmem>>, vector<1x16xf32>,
    %get3A_643 = vector.shape_cast %get3A_642 : vector<1x16xf32> to vector<16xf32>
    %get3A_644 = arith.constant 4 : i32
    %get3A_645 = arith.index_cast %get3A_644 : i32 to index
    %get3A_646 = arith.constant 80 : index
    %get3A_647 = tpu.vector_load %arg8[%get3A_645, %get3A_646] {strides = array<i32>} : memref<8x128xf32, #tpu.memory_space<vmem>>, vector<1x16xf32>,
    %get3A_648 = vector.shape_cast %get3A_647 : vector<1x16xf32> to vector<16xf32>
    %add3A_649 = arith.addf %get3A_643, %get3A_648 : vector<16xf32>
    %swap3A_650 = arith.constant 4 : i32
    %swap3A_651 = arith.index_cast %swap3A_650 : i32 to index
    %swap3A_652 = arith.constant 80 : index
    %swap3A_653 = tpu.vector_load %arg7[%swap3A_651, %swap3A_652] {strides = array<i32>} : memref<8x128xf32, #tpu.memory_space<vmem>>, vector<1x16xf32>,
    %swap3A_654 = vector.shape_cast %swap3A_653 : vector<1x16xf32> to vector<16xf32>
    %swap3A_655 = vector.shape_cast %add3A_649 : vector<16xf32> to vector<1x16xf32>
    tpu.vector_store %arg7[%swap3A_651, %swap3A_652], %swap3A_655 {strides = array<i32>} : memref<8x128xf32, #tpu.memory_space<vmem>>, vector<1x16xf32>,
    %get3A_656 = arith.constant 4 : i32
    %get3A_657 = arith.index_cast %get3A_656 : i32 to index
    %get3A_658 = arith.constant 96 : index
    %get3A_659 = tpu.vector_load %arg7[%get3A_657, %get3A_658] {strides = array<i32>} : memref<8x128xf32, #tpu.memory_space<vmem>>, vector<1x16xf32>,
    %get3A_660 = vector.shape_cast %get3A_659 : vector<1x16xf32> to vector<16xf32>
    %get3A_661 = arith.constant 4 : i32
    %get3A_662 = arith.index_cast %get3A_661 : i32 to index
    %get3A_663 = arith.constant 96 : index
    %get3A_664 = tpu.vector_load %arg8[%get3A_662, %get3A_663] {strides = array<i32>} : memref<8x128xf32, #tpu.memory_space<vmem>>, vector<1x16xf32>,
    %get3A_665 = vector.shape_cast %get3A_664 : vector<1x16xf32> to vector<16xf32>
    %add3A_666 = arith.addf %get3A_660, %get3A_665 : vector<16xf32>
    %swap3A_667 = arith.constant 4 : i32
    %swap3A_668 = arith.index_cast %swap3A_667 : i32 to index
    %swap3A_669 = arith.constant 96 : index
    %swap3A_670 = tpu.vector_load %arg7[%swap3A_668, %swap3A_669] {strides = array<i32>} : memref<8x128xf32, #tpu.memory_space<vmem>>, vector<1x16xf32>,
    %swap3A_671 = vector.shape_cast %swap3A_670 : vector<1x16xf32> to vector<16xf32>
    %swap3A_672 = vector.shape_cast %add3A_666 : vector<16xf32> to vector<1x16xf32>
    tpu.vector_store %arg7[%swap3A_668, %swap3A_669], %swap3A_672 {strides = array<i32>} : memref<8x128xf32, #tpu.memory_space<vmem>>, vector<1x16xf32>,
    %get3A_673 = arith.constant 4 : i32
    %get3A_674 = arith.index_cast %get3A_673 : i32 to index
    %get3A_675 = arith.constant 112 : index
    %get3A_676 = tpu.vector_load %arg7[%get3A_674, %get3A_675] {strides = array<i32>} : memref<8x128xf32, #tpu.memory_space<vmem>>, vector<1x16xf32>,
    %get3A_677 = vector.shape_cast %get3A_676 : vector<1x16xf32> to vector<16xf32>
    %get3A_678 = arith.constant 4 : i32
    %get3A_679 = arith.index_cast %get3A_678 : i32 to index
    %get3A_680 = arith.constant 112 : index
    %get3A_681 = tpu.vector_load %arg8[%get3A_679, %get3A_680] {strides = array<i32>} : memref<8x128xf32, #tpu.memory_space<vmem>>, vector<1x16xf32>,
    %get3A_682 = vector.shape_cast %get3A_681 : vector<1x16xf32> to vector<16xf32>
    %add3A_683 = arith.addf %get3A_677, %get3A_682 : vector<16xf32>
    %swap3A_684 = arith.constant 4 : i32
    %swap3A_685 = arith.index_cast %swap3A_684 : i32 to index
    %swap3A_686 = arith.constant 112 : index
    %swap3A_687 = tpu.vector_load %arg7[%swap3A_685, %swap3A_686] {strides = array<i32>} : memref<8x128xf32, #tpu.memory_space<vmem>>, vector<1x16xf32>,
    %swap3A_688 = vector.shape_cast %swap3A_687 : vector<1x16xf32> to vector<16xf32>
    %swap3A_689 = vector.shape_cast %add3A_683 : vector<16xf32> to vector<1x16xf32>
    tpu.vector_store %arg7[%swap3A_685, %swap3A_686], %swap3A_689 {strides = array<i32>} : memref<8x128xf32, #tpu.memory_space<vmem>>, vector<1x16xf32>,
    %get3A_690 = arith.constant 5 : i32
    %get3A_691 = arith.index_cast %get3A_690 : i32 to index
    %get3A_692 = arith.constant 0 : index
    %get3A_693 = tpu.vector_load %arg7[%get3A_691, %get3A_692] {strides = array<i32>} : memref<8x128xf32, #tpu.memory_space<vmem>>, vector<1x16xf32>,
    %get3A_694 = vector.shape_cast %get3A_693 : vector<1x16xf32> to vector<16xf32>
    %get3A_695 = arith.constant 5 : i32
    %get3A_696 = arith.index_cast %get3A_695 : i32 to index
    %get3A_697 = arith.constant 0 : index
    %get3A_698 = tpu.vector_load %arg8[%get3A_696, %get3A_697] {strides = array<i32>} : memref<8x128xf32, #tpu.memory_space<vmem>>, vector<1x16xf32>,
    %get3A_699 = vector.shape_cast %get3A_698 : vector<1x16xf32> to vector<16xf32>
    %add3A_700 = arith.addf %get3A_694, %get3A_699 : vector<16xf32>
    %swap3A_701 = arith.constant 5 : i32
    %swap3A_702 = arith.index_cast %swap3A_701 : i32 to index
    %swap3A_703 = arith.constant 0 : index
    %swap3A_704 = tpu.vector_load %arg7[%swap3A_702, %swap3A_703] {strides = array<i32>} : memref<8x128xf32, #tpu.memory_space<vmem>>, vector<1x16xf32>,
    %swap3A_705 = vector.shape_cast %swap3A_704 : vector<1x16xf32> to vector<16xf32>
    %swap3A_706 = vector.shape_cast %add3A_700 : vector<16xf32> to vector<1x16xf32>
    tpu.vector_store %arg7[%swap3A_702, %swap3A_703], %swap3A_706 {strides = array<i32>} : memref<8x128xf32, #tpu.memory_space<vmem>>, vector<1x16xf32>,
    %get3A_707 = arith.constant 5 : i32
    %get3A_708 = arith.index_cast %get3A_707 : i32 to index
    %get3A_709 = arith.constant 16 : index
    %get3A_710 = tpu.vector_load %arg7[%get3A_708, %get3A_709] {strides = array<i32>} : memref<8x128xf32, #tpu.memory_space<vmem>>, vector<1x16xf32>,
    %get3A_711 = vector.shape_cast %get3A_710 : vector<1x16xf32> to vector<16xf32>
    %get3A_712 = arith.constant 5 : i32
    %get3A_713 = arith.index_cast %get3A_712 : i32 to index
    %get3A_714 = arith.constant 16 : index
    %get3A_715 = tpu.vector_load %arg8[%get3A_713, %get3A_714] {strides = array<i32>} : memref<8x128xf32, #tpu.memory_space<vmem>>, vector<1x16xf32>,
    %get3A_716 = vector.shape_cast %get3A_715 : vector<1x16xf32> to vector<16xf32>
    %add3A_717 = arith.addf %get3A_711, %get3A_716 : vector<16xf32>
    %swap3A_718 = arith.constant 5 : i32
    %swap3A_719 = arith.index_cast %swap3A_718 : i32 to index
    %swap3A_720 = arith.constant 16 : index
    %swap3A_721 = tpu.vector_load %arg7[%swap3A_719, %swap3A_720] {strides = array<i32>} : memref<8x128xf32, #tpu.memory_space<vmem>>, vector<1x16xf32>,
    %swap3A_722 = vector.shape_cast %swap3A_721 : vector<1x16xf32> to vector<16xf32>
    %swap3A_723 = vector.shape_cast %add3A_717 : vector<16xf32> to vector<1x16xf32>
    tpu.vector_store %arg7[%swap3A_719, %swap3A_720], %swap3A_723 {strides = array<i32>} : memref<8x128xf32, #tpu.memory_space<vmem>>, vector<1x16xf32>,
    %get3A_724 = arith.constant 5 : i32
    %get3A_725 = arith.index_cast %get3A_724 : i32 to index
    %get3A_726 = arith.constant 32 : index
    %get3A_727 = tpu.vector_load %arg7[%get3A_725, %get3A_726] {strides = array<i32>} : memref<8x128xf32, #tpu.memory_space<vmem>>, vector<1x16xf32>,
    %get3A_728 = vector.shape_cast %get3A_727 : vector<1x16xf32> to vector<16xf32>
    %get3A_729 = arith.constant 5 : i32
    %get3A_730 = arith.index_cast %get3A_729 : i32 to index
    %get3A_731 = arith.constant 32 : index
    %get3A_732 = tpu.vector_load %arg8[%get3A_730, %get3A_731] {strides = array<i32>} : memref<8x128xf32, #tpu.memory_space<vmem>>, vector<1x16xf32>,
    %get3A_733 = vector.shape_cast %get3A_732 : vector<1x16xf32> to vector<16xf32>
    %add3A_734 = arith.addf %get3A_728, %get3A_733 : vector<16xf32>
    %swap3A_735 = arith.constant 5 : i32
    %swap3A_736 = arith.index_cast %swap3A_735 : i32 to index
    %swap3A_737 = arith.constant 32 : index
    %swap3A_738 = tpu.vector_load %arg7[%swap3A_736, %swap3A_737] {strides = array<i32>} : memref<8x128xf32, #tpu.memory_space<vmem>>, vector<1x16xf32>,
    %swap3A_739 = vector.shape_cast %swap3A_738 : vector<1x16xf32> to vector<16xf32>
    %swap3A_740 = vector.shape_cast %add3A_734 : vector<16xf32> to vector<1x16xf32>
    tpu.vector_store %arg7[%swap3A_736, %swap3A_737], %swap3A_740 {strides = array<i32>} : memref<8x128xf32, #tpu.memory_space<vmem>>, vector<1x16xf32>,
    %get3A_741 = arith.constant 5 : i32
    %get3A_742 = arith.index_cast %get3A_741 : i32 to index
    %get3A_743 = arith.constant 48 : index
    %get3A_744 = tpu.vector_load %arg7[%get3A_742, %get3A_743] {strides = array<i32>} : memref<8x128xf32, #tpu.memory_space<vmem>>, vector<1x16xf32>,
    %get3A_745 = vector.shape_cast %get3A_744 : vector<1x16xf32> to vector<16xf32>
    %get3A_746 = arith.constant 5 : i32
    %get3A_747 = arith.index_cast %get3A_746 : i32 to index
    %get3A_748 = arith.constant 48 : index
    %get3A_749 = tpu.vector_load %arg8[%get3A_747, %get3A_748] {strides = array<i32>} : memref<8x128xf32, #tpu.memory_space<vmem>>, vector<1x16xf32>,
    %get3A_750 = vector.shape_cast %get3A_749 : vector<1x16xf32> to vector<16xf32>
    %add3A_751 = arith.addf %get3A_745, %get3A_750 : vector<16xf32>
    %swap3A_752 = arith.constant 5 : i32
    %swap3A_753 = arith.index_cast %swap3A_752 : i32 to index
    %swap3A_754 = arith.constant 48 : index
    %swap3A_755 = tpu.vector_load %arg7[%swap3A_753, %swap3A_754] {strides = array<i32>} : memref<8x128xf32, #tpu.memory_space<vmem>>, vector<1x16xf32>,
    %swap3A_756 = vector.shape_cast %swap3A_755 : vector<1x16xf32> to vector<16xf32>
    %swap3A_757 = vector.shape_cast %add3A_751 : vector<16xf32> to vector<1x16xf32>
    tpu.vector_store %arg7[%swap3A_753, %swap3A_754], %swap3A_757 {strides = array<i32>} : memref<8x128xf32, #tpu.memory_space<vmem>>, vector<1x16xf32>,
    %get3A_758 = arith.constant 5 : i32
    %get3A_759 = arith.index_cast %get3A_758 : i32 to index
    %get3A_760 = arith.constant 64 : index
    %get3A_761 = tpu.vector_load %arg7[%get3A_759, %get3A_760] {strides = array<i32>} : memref<8x128xf32, #tpu.memory_space<vmem>>, vector<1x16xf32>,
    %get3A_762 = vector.shape_cast %get3A_761 : vector<1x16xf32> to vector<16xf32>
    %get3A_763 = arith.constant 5 : i32
    %get3A_764 = arith.index_cast %get3A_763 : i32 to index
    %get3A_765 = arith.constant 64 : index
    %get3A_766 = tpu.vector_load %arg8[%get3A_764, %get3A_765] {strides = array<i32>} : memref<8x128xf32, #tpu.memory_space<vmem>>, vector<1x16xf32>,
    %get3A_767 = vector.shape_cast %get3A_766 : vector<1x16xf32> to vector<16xf32>
    %add3A_768 = arith.addf %get3A_762, %get3A_767 : vector<16xf32>
    %swap3A_769 = arith.constant 5 : i32
    %swap3A_770 = arith.index_cast %swap3A_769 : i32 to index
    %swap3A_771 = arith.constant 64 : index
    %swap3A_772 = tpu.vector_load %arg7[%swap3A_770, %swap3A_771] {strides = array<i32>} : memref<8x128xf32, #tpu.memory_space<vmem>>, vector<1x16xf32>,
    %swap3A_773 = vector.shape_cast %swap3A_772 : vector<1x16xf32> to vector<16xf32>
    %swap3A_774 = vector.shape_cast %add3A_768 : vector<16xf32> to vector<1x16xf32>
    tpu.vector_store %arg7[%swap3A_770, %swap3A_771], %swap3A_774 {strides = array<i32>} : memref<8x128xf32, #tpu.memory_space<vmem>>, vector<1x16xf32>,
    %get3A_775 = arith.constant 5 : i32
    %get3A_776 = arith.index_cast %get3A_775 : i32 to index
    %get3A_777 = arith.constant 80 : index
    %get3A_778 = tpu.vector_load %arg7[%get3A_776, %get3A_777] {strides = array<i32>} : memref<8x128xf32, #tpu.memory_space<vmem>>, vector<1x16xf32>,
    %get3A_779 = vector.shape_cast %get3A_778 : vector<1x16xf32> to vector<16xf32>
    %get3A_780 = arith.constant 5 : i32
    %get3A_781 = arith.index_cast %get3A_780 : i32 to index
    %get3A_782 = arith.constant 80 : index
    %get3A_783 = tpu.vector_load %arg8[%get3A_781, %get3A_782] {strides = array<i32>} : memref<8x128xf32, #tpu.memory_space<vmem>>, vector<1x16xf32>,
    %get3A_784 = vector.shape_cast %get3A_783 : vector<1x16xf32> to vector<16xf32>
    %add3A_785 = arith.addf %get3A_779, %get3A_784 : vector<16xf32>
    %swap3A_786 = arith.constant 5 : i32
    %swap3A_787 = arith.index_cast %swap3A_786 : i32 to index
    %swap3A_788 = arith.constant 80 : index
    %swap3A_789 = tpu.vector_load %arg7[%swap3A_787, %swap3A_788] {strides = array<i32>} : memref<8x128xf32, #tpu.memory_space<vmem>>, vector<1x16xf32>,
    %swap3A_790 = vector.shape_cast %swap3A_789 : vector<1x16xf32> to vector<16xf32>
    %swap3A_791 = vector.shape_cast %add3A_785 : vector<16xf32> to vector<1x16xf32>
    tpu.vector_store %arg7[%swap3A_787, %swap3A_788], %swap3A_791 {strides = array<i32>} : memref<8x128xf32, #tpu.memory_space<vmem>>, vector<1x16xf32>,
    %get3A_792 = arith.constant 5 : i32
    %get3A_793 = arith.index_cast %get3A_792 : i32 to index
    %get3A_794 = arith.constant 96 : index
    %get3A_795 = tpu.vector_load %arg7[%get3A_793, %get3A_794] {strides = array<i32>} : memref<8x128xf32, #tpu.memory_space<vmem>>, vector<1x16xf32>,
    %get3A_796 = vector.shape_cast %get3A_795 : vector<1x16xf32> to vector<16xf32>
    %get3A_797 = arith.constant 5 : i32
    %get3A_798 = arith.index_cast %get3A_797 : i32 to index
    %get3A_799 = arith.constant 96 : index
    %get3A_800 = tpu.vector_load %arg8[%get3A_798, %get3A_799] {strides = array<i32>} : memref<8x128xf32, #tpu.memory_space<vmem>>, vector<1x16xf32>,
    %get3A_801 = vector.shape_cast %get3A_800 : vector<1x16xf32> to vector<16xf32>
    %add3A_802 = arith.addf %get3A_796, %get3A_801 : vector<16xf32>
    %swap3A_803 = arith.constant 5 : i32
    %swap3A_804 = arith.index_cast %swap3A_803 : i32 to index
    %swap3A_805 = arith.constant 96 : index
    %swap3A_806 = tpu.vector_load %arg7[%swap3A_804, %swap3A_805] {strides = array<i32>} : memref<8x128xf32, #tpu.memory_space<vmem>>, vector<1x16xf32>,
    %swap3A_807 = vector.shape_cast %swap3A_806 : vector<1x16xf32> to vector<16xf32>
    %swap3A_808 = vector.shape_cast %add3A_802 : vector<16xf32> to vector<1x16xf32>
    tpu.vector_store %arg7[%swap3A_804, %swap3A_805], %swap3A_808 {strides = array<i32>} : memref<8x128xf32, #tpu.memory_space<vmem>>, vector<1x16xf32>,
    %get3A_809 = arith.constant 5 : i32
    %get3A_810 = arith.index_cast %get3A_809 : i32 to index
    %get3A_811 = arith.constant 112 : index
    %get3A_812 = tpu.vector_load %arg7[%get3A_810, %get3A_811] {strides = array<i32>} : memref<8x128xf32, #tpu.memory_space<vmem>>, vector<1x16xf32>,
    %get3A_813 = vector.shape_cast %get3A_812 : vector<1x16xf32> to vector<16xf32>
    %get3A_814 = arith.constant 5 : i32
    %get3A_815 = arith.index_cast %get3A_814 : i32 to index
    %get3A_816 = arith.constant 112 : index
    %get3A_817 = tpu.vector_load %arg8[%get3A_815, %get3A_816] {strides = array<i32>} : memref<8x128xf32, #tpu.memory_space<vmem>>, vector<1x16xf32>,
    %get3A_818 = vector.shape_cast %get3A_817 : vector<1x16xf32> to vector<16xf32>
    %add3A_819 = arith.addf %get3A_813, %get3A_818 : vector<16xf32>
    %swap3A_820 = arith.constant 5 : i32
    %swap3A_821 = arith.index_cast %swap3A_820 : i32 to index
    %swap3A_822 = arith.constant 112 : index
    %swap3A_823 = tpu.vector_load %arg7[%swap3A_821, %swap3A_822] {strides = array<i32>} : memref<8x128xf32, #tpu.memory_space<vmem>>, vector<1x16xf32>,
    %swap3A_824 = vector.shape_cast %swap3A_823 : vector<1x16xf32> to vector<16xf32>
    %swap3A_825 = vector.shape_cast %add3A_819 : vector<16xf32> to vector<1x16xf32>
    tpu.vector_store %arg7[%swap3A_821, %swap3A_822], %swap3A_825 {strides = array<i32>} : memref<8x128xf32, #tpu.memory_space<vmem>>, vector<1x16xf32>,
    %get3A_826 = arith.constant 6 : i32
    %get3A_827 = arith.index_cast %get3A_826 : i32 to index
    %get3A_828 = arith.constant 0 : index
    %get3A_829 = tpu.vector_load %arg7[%get3A_827, %get3A_828] {strides = array<i32>} : memref<8x128xf32, #tpu.memory_space<vmem>>, vector<1x16xf32>,
    %get3A_830 = vector.shape_cast %get3A_829 : vector<1x16xf32> to vector<16xf32>
    %get3A_831 = arith.constant 6 : i32
    %get3A_832 = arith.index_cast %get3A_831 : i32 to index
    %get3A_833 = arith.constant 0 : index
    %get3A_834 = tpu.vector_load %arg8[%get3A_832, %get3A_833] {strides = array<i32>} : memref<8x128xf32, #tpu.memory_space<vmem>>, vector<1x16xf32>,
    %get3A_835 = vector.shape_cast %get3A_834 : vector<1x16xf32> to vector<16xf32>
    %add3A_836 = arith.addf %get3A_830, %get3A_835 : vector<16xf32>
    %swap3A_837 = arith.constant 6 : i32
    %swap3A_838 = arith.index_cast %swap3A_837 : i32 to index
    %swap3A_839 = arith.constant 0 : index
    %swap3A_840 = tpu.vector_load %arg7[%swap3A_838, %swap3A_839] {strides = array<i32>} : memref<8x128xf32, #tpu.memory_space<vmem>>, vector<1x16xf32>,
    %swap3A_841 = vector.shape_cast %swap3A_840 : vector<1x16xf32> to vector<16xf32>
    %swap3A_842 = vector.shape_cast %add3A_836 : vector<16xf32> to vector<1x16xf32>
    tpu.vector_store %arg7[%swap3A_838, %swap3A_839], %swap3A_842 {strides = array<i32>} : memref<8x128xf32, #tpu.memory_space<vmem>>, vector<1x16xf32>,
    %get3A_843 = arith.constant 6 : i32
    %get3A_844 = arith.index_cast %get3A_843 : i32 to index
    %get3A_845 = arith.constant 16 : index
    %get3A_846 = tpu.vector_load %arg7[%get3A_844, %get3A_845] {strides = array<i32>} : memref<8x128xf32, #tpu.memory_space<vmem>>, vector<1x16xf32>,
    %get3A_847 = vector.shape_cast %get3A_846 : vector<1x16xf32> to vector<16xf32>
    %get3A_848 = arith.constant 6 : i32
    %get3A_849 = arith.index_cast %get3A_848 : i32 to index
    %get3A_850 = arith.constant 16 : index
    %get3A_851 = tpu.vector_load %arg8[%get3A_849, %get3A_850] {strides = array<i32>} : memref<8x128xf32, #tpu.memory_space<vmem>>, vector<1x16xf32>,
    %get3A_852 = vector.shape_cast %get3A_851 : vector<1x16xf32> to vector<16xf32>
    %add3A_853 = arith.addf %get3A_847, %get3A_852 : vector<16xf32>
    %swap3A_854 = arith.constant 6 : i32
    %swap3A_855 = arith.index_cast %swap3A_854 : i32 to index
    %swap3A_856 = arith.constant 16 : index
    %swap3A_857 = tpu.vector_load %arg7[%swap3A_855, %swap3A_856] {strides = array<i32>} : memref<8x128xf32, #tpu.memory_space<vmem>>, vector<1x16xf32>,
    %swap3A_858 = vector.shape_cast %swap3A_857 : vector<1x16xf32> to vector<16xf32>
    %swap3A_859 = vector.shape_cast %add3A_853 : vector<16xf32> to vector<1x16xf32>
    tpu.vector_store %arg7[%swap3A_855, %swap3A_856], %swap3A_859 {strides = array<i32>} : memref<8x128xf32, #tpu.memory_space<vmem>>, vector<1x16xf32>,
    %get3A_860 = arith.constant 6 : i32
    %get3A_861 = arith.index_cast %get3A_860 : i32 to index
    %get3A_862 = arith.constant 32 : index
    %get3A_863 = tpu.vector_load %arg7[%get3A_861, %get3A_862] {strides = array<i32>} : memref<8x128xf32, #tpu.memory_space<vmem>>, vector<1x16xf32>,
    %get3A_864 = vector.shape_cast %get3A_863 : vector<1x16xf32> to vector<16xf32>
    %get3A_865 = arith.constant 6 : i32
    %get3A_866 = arith.index_cast %get3A_865 : i32 to index
    %get3A_867 = arith.constant 32 : index
    %get3A_868 = tpu.vector_load %arg8[%get3A_866, %get3A_867] {strides = array<i32>} : memref<8x128xf32, #tpu.memory_space<vmem>>, vector<1x16xf32>,
    %get3A_869 = vector.shape_cast %get3A_868 : vector<1x16xf32> to vector<16xf32>
    %add3A_870 = arith.addf %get3A_864, %get3A_869 : vector<16xf32>
    %swap3A_871 = arith.constant 6 : i32
    %swap3A_872 = arith.index_cast %swap3A_871 : i32 to index
    %swap3A_873 = arith.constant 32 : index
    %swap3A_874 = tpu.vector_load %arg7[%swap3A_872, %swap3A_873] {strides = array<i32>} : memref<8x128xf32, #tpu.memory_space<vmem>>, vector<1x16xf32>,
    %swap3A_875 = vector.shape_cast %swap3A_874 : vector<1x16xf32> to vector<16xf32>
    %swap3A_876 = vector.shape_cast %add3A_870 : vector<16xf32> to vector<1x16xf32>
    tpu.vector_store %arg7[%swap3A_872, %swap3A_873], %swap3A_876 {strides = array<i32>} : memref<8x128xf32, #tpu.memory_space<vmem>>, vector<1x16xf32>,
    %get3A_877 = arith.constant 6 : i32
    %get3A_878 = arith.index_cast %get3A_877 : i32 to index
    %get3A_879 = arith.constant 48 : index
    %get3A_880 = tpu.vector_load %arg7[%get3A_878, %get3A_879] {strides = array<i32>} : memref<8x128xf32, #tpu.memory_space<vmem>>, vector<1x16xf32>,
    %get3A_881 = vector.shape_cast %get3A_880 : vector<1x16xf32> to vector<16xf32>
    %get3A_882 = arith.constant 6 : i32
    %get3A_883 = arith.index_cast %get3A_882 : i32 to index
    %get3A_884 = arith.constant 48 : index
    %get3A_885 = tpu.vector_load %arg8[%get3A_883, %get3A_884] {strides = array<i32>} : memref<8x128xf32, #tpu.memory_space<vmem>>, vector<1x16xf32>,
    %get3A_886 = vector.shape_cast %get3A_885 : vector<1x16xf32> to vector<16xf32>
    %add3A_887 = arith.addf %get3A_881, %get3A_886 : vector<16xf32>
    %swap3A_888 = arith.constant 6 : i32
    %swap3A_889 = arith.index_cast %swap3A_888 : i32 to index
    %swap3A_890 = arith.constant 48 : index
    %swap3A_891 = tpu.vector_load %arg7[%swap3A_889, %swap3A_890] {strides = array<i32>} : memref<8x128xf32, #tpu.memory_space<vmem>>, vector<1x16xf32>,
    %swap3A_892 = vector.shape_cast %swap3A_891 : vector<1x16xf32> to vector<16xf32>
    %swap3A_893 = vector.shape_cast %add3A_887 : vector<16xf32> to vector<1x16xf32>
    tpu.vector_store %arg7[%swap3A_889, %swap3A_890], %swap3A_893 {strides = array<i32>} : memref<8x128xf32, #tpu.memory_space<vmem>>, vector<1x16xf32>,
    %get3A_894 = arith.constant 6 : i32
    %get3A_895 = arith.index_cast %get3A_894 : i32 to index
    %get3A_896 = arith.constant 64 : index
    %get3A_897 = tpu.vector_load %arg7[%get3A_895, %get3A_896] {strides = array<i32>} : memref<8x128xf32, #tpu.memory_space<vmem>>, vector<1x16xf32>,
    %get3A_898 = vector.shape_cast %get3A_897 : vector<1x16xf32> to vector<16xf32>
    %get3A_899 = arith.constant 6 : i32
    %get3A_900 = arith.index_cast %get3A_899 : i32 to index
    %get3A_901 = arith.constant 64 : index
    %get3A_902 = tpu.vector_load %arg8[%get3A_900, %get3A_901] {strides = array<i32>} : memref<8x128xf32, #tpu.memory_space<vmem>>, vector<1x16xf32>,
    %get3A_903 = vector.shape_cast %get3A_902 : vector<1x16xf32> to vector<16xf32>
    %add3A_904 = arith.addf %get3A_898, %get3A_903 : vector<16xf32>
    %swap3A_905 = arith.constant 6 : i32
    %swap3A_906 = arith.index_cast %swap3A_905 : i32 to index
    %swap3A_907 = arith.constant 64 : index
    %swap3A_908 = tpu.vector_load %arg7[%swap3A_906, %swap3A_907] {strides = array<i32>} : memref<8x128xf32, #tpu.memory_space<vmem>>, vector<1x16xf32>,
    %swap3A_909 = vector.shape_cast %swap3A_908 : vector<1x16xf32> to vector<16xf32>
    %swap3A_910 = vector.shape_cast %add3A_904 : vector<16xf32> to vector<1x16xf32>
    tpu.vector_store %arg7[%swap3A_906, %swap3A_907], %swap3A_910 {strides = array<i32>} : memref<8x128xf32, #tpu.memory_space<vmem>>, vector<1x16xf32>,
    %get3A_911 = arith.constant 6 : i32
    %get3A_912 = arith.index_cast %get3A_911 : i32 to index
    %get3A_913 = arith.constant 80 : index
    %get3A_914 = tpu.vector_load %arg7[%get3A_912, %get3A_913] {strides = array<i32>} : memref<8x128xf32, #tpu.memory_space<vmem>>, vector<1x16xf32>,
    %get3A_915 = vector.shape_cast %get3A_914 : vector<1x16xf32> to vector<16xf32>
    %get3A_916 = arith.constant 6 : i32
    %get3A_917 = arith.index_cast %get3A_916 : i32 to index
    %get3A_918 = arith.constant 80 : index
    %get3A_919 = tpu.vector_load %arg8[%get3A_917, %get3A_918] {strides = array<i32>} : memref<8x128xf32, #tpu.memory_space<vmem>>, vector<1x16xf32>,
    %get3A_920 = vector.shape_cast %get3A_919 : vector<1x16xf32> to vector<16xf32>
    %add3A_921 = arith.addf %get3A_915, %get3A_920 : vector<16xf32>
    %swap3A_922 = arith.constant 6 : i32
    %swap3A_923 = arith.index_cast %swap3A_922 : i32 to index
    %swap3A_924 = arith.constant 80 : index
    %swap3A_925 = tpu.vector_load %arg7[%swap3A_923, %swap3A_924] {strides = array<i32>} : memref<8x128xf32, #tpu.memory_space<vmem>>, vector<1x16xf32>,
    %swap3A_926 = vector.shape_cast %swap3A_925 : vector<1x16xf32> to vector<16xf32>
    %swap3A_927 = vector.shape_cast %add3A_921 : vector<16xf32> to vector<1x16xf32>
    tpu.vector_store %arg7[%swap3A_923, %swap3A_924], %swap3A_927 {strides = array<i32>} : memref<8x128xf32, #tpu.memory_space<vmem>>, vector<1x16xf32>,
    %get3A_928 = arith.constant 6 : i32
    %get3A_929 = arith.index_cast %get3A_928 : i32 to index
    %get3A_930 = arith.constant 96 : index
    %get3A_931 = tpu.vector_load %arg7[%get3A_929, %get3A_930] {strides = array<i32>} : memref<8x128xf32, #tpu.memory_space<vmem>>, vector<1x16xf32>,
    %get3A_932 = vector.shape_cast %get3A_931 : vector<1x16xf32> to vector<16xf32>
    %get3A_933 = arith.constant 6 : i32
    %get3A_934 = arith.index_cast %get3A_933 : i32 to index
    %get3A_935 = arith.constant 96 : index
    %get3A_936 = tpu.vector_load %arg8[%get3A_934, %get3A_935] {strides = array<i32>} : memref<8x128xf32, #tpu.memory_space<vmem>>, vector<1x16xf32>,
    %get3A_937 = vector.shape_cast %get3A_936 : vector<1x16xf32> to vector<16xf32>
    %add3A_938 = arith.addf %get3A_932, %get3A_937 : vector<16xf32>
    %swap3A_939 = arith.constant 6 : i32
    %swap3A_940 = arith.index_cast %swap3A_939 : i32 to index
    %swap3A_941 = arith.constant 96 : index
    %swap3A_942 = tpu.vector_load %arg7[%swap3A_940, %swap3A_941] {strides = array<i32>} : memref<8x128xf32, #tpu.memory_space<vmem>>, vector<1x16xf32>,
    %swap3A_943 = vector.shape_cast %swap3A_942 : vector<1x16xf32> to vector<16xf32>
    %swap3A_944 = vector.shape_cast %add3A_938 : vector<16xf32> to vector<1x16xf32>
    tpu.vector_store %arg7[%swap3A_940, %swap3A_941], %swap3A_944 {strides = array<i32>} : memref<8x128xf32, #tpu.memory_space<vmem>>, vector<1x16xf32>,
    %get3A_945 = arith.constant 6 : i32
    %get3A_946 = arith.index_cast %get3A_945 : i32 to index
    %get3A_947 = arith.constant 112 : index
    %get3A_948 = tpu.vector_load %arg7[%get3A_946, %get3A_947] {strides = array<i32>} : memref<8x128xf32, #tpu.memory_space<vmem>>, vector<1x16xf32>,
    %get3A_949 = vector.shape_cast %get3A_948 : vector<1x16xf32> to vector<16xf32>
    %get3A_950 = arith.constant 6 : i32
    %get3A_951 = arith.index_cast %get3A_950 : i32 to index
    %get3A_952 = arith.constant 112 : index
    %get3A_953 = tpu.vector_load %arg8[%get3A_951, %get3A_952] {strides = array<i32>} : memref<8x128xf32, #tpu.memory_space<vmem>>, vector<1x16xf32>,
    %get3A_954 = vector.shape_cast %get3A_953 : vector<1x16xf32> to vector<16xf32>
    %add3A_955 = arith.addf %get3A_949, %get3A_954 : vector<16xf32>
    %swap3A_956 = arith.constant 6 : i32
    %swap3A_957 = arith.index_cast %swap3A_956 : i32 to index
    %swap3A_958 = arith.constant 112 : index
    %swap3A_959 = tpu.vector_load %arg7[%swap3A_957, %swap3A_958] {strides = array<i32>} : memref<8x128xf32, #tpu.memory_space<vmem>>, vector<1x16xf32>,
    %swap3A_960 = vector.shape_cast %swap3A_959 : vector<1x16xf32> to vector<16xf32>
    %swap3A_961 = vector.shape_cast %add3A_955 : vector<16xf32> to vector<1x16xf32>
    tpu.vector_store %arg7[%swap3A_957, %swap3A_958], %swap3A_961 {strides = array<i32>} : memref<8x128xf32, #tpu.memory_space<vmem>>, vector<1x16xf32>,
    %get3A_962 = arith.constant 7 : i32
    %get3A_963 = arith.index_cast %get3A_962 : i32 to index
    %get3A_964 = arith.constant 0 : index
    %get3A_965 = tpu.vector_load %arg7[%get3A_963, %get3A_964] {strides = array<i32>} : memref<8x128xf32, #tpu.memory_space<vmem>>, vector<1x16xf32>,
    %get3A_966 = vector.shape_cast %get3A_965 : vector<1x16xf32> to vector<16xf32>
    %get3A_967 = arith.constant 7 : i32
    %get3A_968 = arith.index_cast %get3A_967 : i32 to index
    %get3A_969 = arith.constant 0 : index
    %get3A_970 = tpu.vector_load %arg8[%get3A_968, %get3A_969] {strides = array<i32>} : memref<8x128xf32, #tpu.memory_space<vmem>>, vector<1x16xf32>,
    %get3A_971 = vector.shape_cast %get3A_970 : vector<1x16xf32> to vector<16xf32>
    %add3A_972 = arith.addf %get3A_966, %get3A_971 : vector<16xf32>
    %swap3A_973 = arith.constant 7 : i32
    %swap3A_974 = arith.index_cast %swap3A_973 : i32 to index
    %swap3A_975 = arith.constant 0 : index
    %swap3A_976 = tpu.vector_load %arg7[%swap3A_974, %swap3A_975] {strides = array<i32>} : memref<8x128xf32, #tpu.memory_space<vmem>>, vector<1x16xf32>,
    %swap3A_977 = vector.shape_cast %swap3A_976 : vector<1x16xf32> to vector<16xf32>
    %swap3A_978 = vector.shape_cast %add3A_972 : vector<16xf32> to vector<1x16xf32>
    tpu.vector_store %arg7[%swap3A_974, %swap3A_975], %swap3A_978 {strides = array<i32>} : memref<8x128xf32, #tpu.memory_space<vmem>>, vector<1x16xf32>,
    %get3A_979 = arith.constant 7 : i32
    %get3A_980 = arith.index_cast %get3A_979 : i32 to index
    %get3A_981 = arith.constant 16 : index
    %get3A_982 = tpu.vector_load %arg7[%get3A_980, %get3A_981] {strides = array<i32>} : memref<8x128xf32, #tpu.memory_space<vmem>>, vector<1x16xf32>,
    %get3A_983 = vector.shape_cast %get3A_982 : vector<1x16xf32> to vector<16xf32>
    %get3A_984 = arith.constant 7 : i32
    %get3A_985 = arith.index_cast %get3A_984 : i32 to index
    %get3A_986 = arith.constant 16 : index
    %get3A_987 = tpu.vector_load %arg8[%get3A_985, %get3A_986] {strides = array<i32>} : memref<8x128xf32, #tpu.memory_space<vmem>>, vector<1x16xf32>,
    %get3A_988 = vector.shape_cast %get3A_987 : vector<1x16xf32> to vector<16xf32>
    %add3A_989 = arith.addf %get3A_983, %get3A_988 : vector<16xf32>
    %swap3A_990 = arith.constant 7 : i32
    %swap3A_991 = arith.index_cast %swap3A_990 : i32 to index
    %swap3A_992 = arith.constant 16 : index
    %swap3A_993 = tpu.vector_load %arg7[%swap3A_991, %swap3A_992] {strides = array<i32>} : memref<8x128xf32, #tpu.memory_space<vmem>>, vector<1x16xf32>,
    %swap3A_994 = vector.shape_cast %swap3A_993 : vector<1x16xf32> to vector<16xf32>
    %swap3A_995 = vector.shape_cast %add3A_989 : vector<16xf32> to vector<1x16xf32>
    tpu.vector_store %arg7[%swap3A_991, %swap3A_992], %swap3A_995 {strides = array<i32>} : memref<8x128xf32, #tpu.memory_space<vmem>>, vector<1x16xf32>,
    %get3A_996 = arith.constant 7 : i32
    %get3A_997 = arith.index_cast %get3A_996 : i32 to index
    %get3A_998 = arith.constant 32 : index
    %get3A_999 = tpu.vector_load %arg7[%get3A_997, %get3A_998] {strides = array<i32>} : memref<8x128xf32, #tpu.memory_space<vmem>>, vector<1x16xf32>,
    %get3A_1000 = vector.shape_cast %get3A_999 : vector<1x16xf32> to vector<16xf32>
    %get3A_1001 = arith.constant 7 : i32
    %get3A_1002 = arith.index_cast %get3A_1001 : i32 to index
    %get3A_1003 = arith.constant 32 : index
    %get3A_1004 = tpu.vector_load %arg8[%get3A_1002, %get3A_1003] {strides = array<i32>} : memref<8x128xf32, #tpu.memory_space<vmem>>, vector<1x16xf32>,
    %get3A_1005 = vector.shape_cast %get3A_1004 : vector<1x16xf32> to vector<16xf32>
    %add3A_1006 = arith.addf %get3A_1000, %get3A_1005 : vector<16xf32>
    %swap3A_1007 = arith.constant 7 : i32
    %swap3A_1008 = arith.index_cast %swap3A_1007 : i32 to index
    %swap3A_1009 = arith.constant 32 : index
    %swap3A_1010 = tpu.vector_load %arg7[%swap3A_1008, %swap3A_1009] {strides = array<i32>} : memref<8x128xf32, #tpu.memory_space<vmem>>, vector<1x16xf32>,
    %swap3A_1011 = vector.shape_cast %swap3A_1010 : vector<1x16xf32> to vector<16xf32>
    %swap3A_1012 = vector.shape_cast %add3A_1006 : vector<16xf32> to vector<1x16xf32>
    tpu.vector_store %arg7[%swap3A_1008, %swap3A_1009], %swap3A_1012 {strides = array<i32>} : memref<8x128xf32, #tpu.memory_space<vmem>>, vector<1x16xf32>,
    %get3A_1013 = arith.constant 7 : i32
    %get3A_1014 = arith.index_cast %get3A_1013 : i32 to index
    %get3A_1015 = arith.constant 48 : index
    %get3A_1016 = tpu.vector_load %arg7[%get3A_1014, %get3A_1015] {strides = array<i32>} : memref<8x128xf32, #tpu.memory_space<vmem>>, vector<1x16xf32>,
    %get3A_1017 = vector.shape_cast %get3A_1016 : vector<1x16xf32> to vector<16xf32>
    %get3A_1018 = arith.constant 7 : i32
    %get3A_1019 = arith.index_cast %get3A_1018 : i32 to index
    %get3A_1020 = arith.constant 48 : index
    %get3A_1021 = tpu.vector_load %arg8[%get3A_1019, %get3A_1020] {strides = array<i32>} : memref<8x128xf32, #tpu.memory_space<vmem>>, vector<1x16xf32>,
    %get3A_1022 = vector.shape_cast %get3A_1021 : vector<1x16xf32> to vector<16xf32>
    %add3A_1023 = arith.addf %get3A_1017, %get3A_1022 : vector<16xf32>
    %swap3A_1024 = arith.constant 7 : i32
    %swap3A_1025 = arith.index_cast %swap3A_1024 : i32 to index
    %swap3A_1026 = arith.constant 48 : index
    %swap3A_1027 = tpu.vector_load %arg7[%swap3A_1025, %swap3A_1026] {strides = array<i32>} : memref<8x128xf32, #tpu.memory_space<vmem>>, vector<1x16xf32>,
    %swap3A_1028 = vector.shape_cast %swap3A_1027 : vector<1x16xf32> to vector<16xf32>
    %swap3A_1029 = vector.shape_cast %add3A_1023 : vector<16xf32> to vector<1x16xf32>
    tpu.vector_store %arg7[%swap3A_1025, %swap3A_1026], %swap3A_1029 {strides = array<i32>} : memref<8x128xf32, #tpu.memory_space<vmem>>, vector<1x16xf32>,
    %get3A_1030 = arith.constant 7 : i32
    %get3A_1031 = arith.index_cast %get3A_1030 : i32 to index
    %get3A_1032 = arith.constant 64 : index
    %get3A_1033 = tpu.vector_load %arg7[%get3A_1031, %get3A_1032] {strides = array<i32>} : memref<8x128xf32, #tpu.memory_space<vmem>>, vector<1x16xf32>,
    %get3A_1034 = vector.shape_cast %get3A_1033 : vector<1x16xf32> to vector<16xf32>
    %get3A_1035 = arith.constant 7 : i32
    %get3A_1036 = arith.index_cast %get3A_1035 : i32 to index
    %get3A_1037 = arith.constant 64 : index
    %get3A_1038 = tpu.vector_load %arg8[%get3A_1036, %get3A_1037] {strides = array<i32>} : memref<8x128xf32, #tpu.memory_space<vmem>>, vector<1x16xf32>,
    %get3A_1039 = vector.shape_cast %get3A_1038 : vector<1x16xf32> to vector<16xf32>
    %add3A_1040 = arith.addf %get3A_1034, %get3A_1039 : vector<16xf32>
    %swap3A_1041 = arith.constant 7 : i32
    %swap3A_1042 = arith.index_cast %swap3A_1041 : i32 to index
    %swap3A_1043 = arith.constant 64 : index
    %swap3A_1044 = tpu.vector_load %arg7[%swap3A_1042, %swap3A_1043] {strides = array<i32>} : memref<8x128xf32, #tpu.memory_space<vmem>>, vector<1x16xf32>,
    %swap3A_1045 = vector.shape_cast %swap3A_1044 : vector<1x16xf32> to vector<16xf32>
    %swap3A_1046 = vector.shape_cast %add3A_1040 : vector<16xf32> to vector<1x16xf32>
    tpu.vector_store %arg7[%swap3A_1042, %swap3A_1043], %swap3A_1046 {strides = array<i32>} : memref<8x128xf32, #tpu.memory_space<vmem>>, vector<1x16xf32>,
    %get3A_1047 = arith.constant 7 : i32
    %get3A_1048 = arith.index_cast %get3A_1047 : i32 to index
    %get3A_1049 = arith.constant 80 : index
    %get3A_1050 = tpu.vector_load %arg7[%get3A_1048, %get3A_1049] {strides = array<i32>} : memref<8x128xf32, #tpu.memory_space<vmem>>, vector<1x16xf32>,
    %get3A_1051 = vector.shape_cast %get3A_1050 : vector<1x16xf32> to vector<16xf32>
    %get3A_1052 = arith.constant 7 : i32
    %get3A_1053 = arith.index_cast %get3A_1052 : i32 to index
    %get3A_1054 = arith.constant 80 : index
    %get3A_1055 = tpu.vector_load %arg8[%get3A_1053, %get3A_1054] {strides = array<i32>} : memref<8x128xf32, #tpu.memory_space<vmem>>, vector<1x16xf32>,
    %get3A_1056 = vector.shape_cast %get3A_1055 : vector<1x16xf32> to vector<16xf32>
    %add3A_1057 = arith.addf %get3A_1051, %get3A_1056 : vector<16xf32>
    %swap3A_1058 = arith.constant 7 : i32
    %swap3A_1059 = arith.index_cast %swap3A_1058 : i32 to index
    %swap3A_1060 = arith.constant 80 : index
    %swap3A_1061 = tpu.vector_load %arg7[%swap3A_1059, %swap3A_1060] {strides = array<i32>} : memref<8x128xf32, #tpu.memory_space<vmem>>, vector<1x16xf32>,
    %swap3A_1062 = vector.shape_cast %swap3A_1061 : vector<1x16xf32> to vector<16xf32>
    %swap3A_1063 = vector.shape_cast %add3A_1057 : vector<16xf32> to vector<1x16xf32>
    tpu.vector_store %arg7[%swap3A_1059, %swap3A_1060], %swap3A_1063 {strides = array<i32>} : memref<8x128xf32, #tpu.memory_space<vmem>>, vector<1x16xf32>,
    %get3A_1064 = arith.constant 7 : i32
    %get3A_1065 = arith.index_cast %get3A_1064 : i32 to index
    %get3A_1066 = arith.constant 96 : index
    %get3A_1067 = tpu.vector_load %arg7[%get3A_1065, %get3A_1066] {strides = array<i32>} : memref<8x128xf32, #tpu.memory_space<vmem>>, vector<1x16xf32>,
    %get3A_1068 = vector.shape_cast %get3A_1067 : vector<1x16xf32> to vector<16xf32>
    %get3A_1069 = arith.constant 7 : i32
    %get3A_1070 = arith.index_cast %get3A_1069 : i32 to index
    %get3A_1071 = arith.constant 96 : index
    %get3A_1072 = tpu.vector_load %arg8[%get3A_1070, %get3A_1071] {strides = array<i32>} : memref<8x128xf32, #tpu.memory_space<vmem>>, vector<1x16xf32>,
    %get3A_1073 = vector.shape_cast %get3A_1072 : vector<1x16xf32> to vector<16xf32>
    %add3A_1074 = arith.addf %get3A_1068, %get3A_1073 : vector<16xf32>
    %swap3A_1075 = arith.constant 7 : i32
    %swap3A_1076 = arith.index_cast %swap3A_1075 : i32 to index
    %swap3A_1077 = arith.constant 96 : index
    %swap3A_1078 = tpu.vector_load %arg7[%swap3A_1076, %swap3A_1077] {strides = array<i32>} : memref<8x128xf32, #tpu.memory_space<vmem>>, vector<1x16xf32>,
    %swap3A_1079 = vector.shape_cast %swap3A_1078 : vector<1x16xf32> to vector<16xf32>
    %swap3A_1080 = vector.shape_cast %add3A_1074 : vector<16xf32> to vector<1x16xf32>
    tpu.vector_store %arg7[%swap3A_1076, %swap3A_1077], %swap3A_1080 {strides = array<i32>} : memref<8x128xf32, #tpu.memory_space<vmem>>, vector<1x16xf32>,
    %get3A_1081 = arith.constant 7 : i32
    %get3A_1082 = arith.index_cast %get3A_1081 : i32 to index
    %get3A_1083 = arith.constant 112 : index
    %get3A_1084 = tpu.vector_load %arg7[%get3A_1082, %get3A_1083] {strides = array<i32>} : memref<8x128xf32, #tpu.memory_space<vmem>>, vector<1x16xf32>,
    %get3A_1085 = vector.shape_cast %get3A_1084 : vector<1x16xf32> to vector<16xf32>
    %get3A_1086 = arith.constant 7 : i32
    %get3A_1087 = arith.index_cast %get3A_1086 : i32 to index
    %get3A_1088 = arith.constant 112 : index
    %get3A_1089 = tpu.vector_load %arg8[%get3A_1087, %get3A_1088] {strides = array<i32>} : memref<8x128xf32, #tpu.memory_space<vmem>>, vector<1x16xf32>,
    %get3A_1090 = vector.shape_cast %get3A_1089 : vector<1x16xf32> to vector<16xf32>
    %add3A_1091 = arith.addf %get3A_1085, %get3A_1090 : vector<16xf32>
    %swap3A_1092 = arith.constant 7 : i32
    %swap3A_1093 = arith.index_cast %swap3A_1092 : i32 to index
    %swap3A_1094 = arith.constant 112 : index
    %swap3A_1095 = tpu.vector_load %arg7[%swap3A_1093, %swap3A_1094] {strides = array<i32>} : memref<8x128xf32, #tpu.memory_space<vmem>>, vector<1x16xf32>,
    %swap3A_1096 = vector.shape_cast %swap3A_1095 : vector<1x16xf32> to vector<16xf32>
    %swap3A_1097 = vector.shape_cast %add3A_1091 : vector<16xf32> to vector<1x16xf32>
    tpu.vector_store %arg7[%swap3A_1093, %swap3A_1094], %swap3A_1097 {strides = array<i32>} : memref<8x128xf32, #tpu.memory_space<vmem>>, vector<1x16xf32>,
    "tpu.region"() ({
      %run_scoped3A = tpu.sem_alloc : memref<!tpu.dma_semaphore, #tpu.memory_space<semaphore_mem>>
      %dma_start3A_1098 = arith.constant 0 : i32
      %dma_start3A_1099 = tpu.memref_slice %arg5[%mul3A_0, %dma_start3A_1098] : memref<32x128xf32, #tpu.memory_space<hbm>> -> memref<8x128xf32, #tpu.memory_space<hbm>>
      %dma_start3A_1100 = arith.constant 0 : i32
      %dma_start3A_1101 = tpu.memref_slice %arg5[%mul3A_0, %dma_start3A_1100] : memref<32x128xf32, #tpu.memory_space<hbm>> -> memref<8x128xf32, #tpu.memory_space<hbm>>
      tpu.enqueue_dma source(%arg7 : memref<8x128xf32, #tpu.memory_space<vmem>>) target(%dma_start3A_1101 : memref<8x128xf32, #tpu.memory_space<hbm>>) target_semaphore(%run_scoped3A : memref<!tpu.dma_semaphore, #tpu.memory_space<semaphore_mem>>)
      %dma_wait3A_1102 = arith.constant 0 : i32
      %dma_wait3A_1103 = tpu.memref_slice %arg5[%mul3A_0, %dma_wait3A_1102] : memref<32x128xf32, #tpu.memory_space<hbm>> -> memref<8x128xf32, #tpu.memory_space<hbm>>
      %dma_wait3A_1104 = arith.constant 0 : i32
      %dma_wait3A_1105 = tpu.memref_slice %arg5[%mul3A_0, %dma_wait3A_1104] : memref<32x128xf32, #tpu.memory_space<hbm>> -> memref<8x128xf32, #tpu.memory_space<hbm>>
      tpu.wait_dma2 semaphore(%run_scoped3A : memref<!tpu.dma_semaphore, #tpu.memory_space<semaphore_mem>>) src(%arg7 : memref<8x128xf32, #tpu.memory_space<vmem>>) dst(%dma_wait3A_1105 : memref<8x128xf32, #tpu.memory_space<hbm>>)
      tpu.yield
    }) : () -> ()
    return
  }
}

</mosaic_0001>

<sc_bundles>
// kernel: kernel.3.cloned.1.call-start
scs
__scs_entry_jumppad:
0x0: {  	(pc) =	sbr.rel $0x88, $3  }
0x1: {  	(tag) =	ssettag $0x0;
	lr =	simm.s32 $0x1  }
0x2: {  	[smem:$0x3F9E] =	sst lr;
	_ =	strace $0xD0000000  }
0x3: {  	_ = 	snop  }
0x4: {  	_ = 	snop  }
0x5: {  	_ = 	snop  }
0x6: {  	_ = 	snop  }
0x7: {  	_ = 	snop  }
__scs_overlays_trampoline_lowered:
0x8: {  	[smem:$0x3FAD] =	sst s0  }
0x9: {  	[smem:$0x3FAE] =	sst s1  }
0xa: {  	[smem:$0x3FAF] =	sst s2  }
0xb: {  	[smem:$0x3FB0] =	sst s3  }
0xc: {  	[smem:$0x3FB1] =	sst s4  }
0xd: {  	[smem:$0x3FB2] =	sst s5  }
0xe: {  	[smem:$0x3FB3] =	sst s6  }
0xf: {  	[smem:$0x3FB4] =	sst s7  }
0x10: {  	[smem:$0x3FB5] =	sst s8  }
0x11: {  	[smem:$0x3FB6] =	sst s9;
	s0 =	simm.s32 @!p0 $0x0  }
0x12: {  	s1 =	sld [smem:$0x3F9C];
	s0 =	simm.s32 @p0 $0x1  }
0x13: {  	[smem:$0x3FB7] =	sst s0;
	s0 =	simm.s32 @!p1 $0x0  }
0x14: {  	s2 =	sld [smem:$0x3F9B];
	s0 =	simm.s32 @p1 $0x1  }
0x15: {  	[smem:$0x3FB8] =	sst s0;
	s0 =	simm.s32 @!p2 $0x0  }
0x16: {  	s3 =	sld [smem:$0x3FDB];
	s0 =	simm.s32 @p2 $0x1  }
0x17: {  	s4 =	simm.s32 $0x1BF5;
	[smem:$0x3FBA] =	sst s0  }
0x18: {  	s0 =	sld [smem:$0x3F9D];
	_ =	swait.ge [sflag:s4], $0x0  }
0x19: {  	s7 =	sld [smem:$0x3F9E]  }
0x1a: {  	s8 =	sadd.s32 $0xFFFFE003, lr  }
0x1b: {  	s9 =	sadd.s32 $0xFFFFFEF7, lr;
	s5 =	simm.s32 $0xFFFFFFFF;
	p2 =	slt.u32 s8, $0xFFFFF086  }
0x1c: {  	p1 =	slt.u32 s9, $0xF7A;
	s5 =	simm.s32 @!p2 $0x0  }
0x1d: {  	s5 =	simm.s32 @p1 $0x1;
	p0 =	seq.s32 s7, s2  }
0x1e: {  	s7 =	smul.u32 @!p0 $0xF7A, s2;
	p2 =	seq.s32 @!p0 s5, $0x0  }
0x1f: {  	s9 =	smul.u32 $0xF7A, s1;
	s8 =	simm.s32 @!p0 $0x1BF5;
	p2 =	por !p2, p0  }
0x20: {  	[sflag:s8] =	ssyncset.s32 @!p0 $0xFFFFF086;
	s6 =	sadd.s32 @!p0 s3, s7;
	s7 =	simm.s32 @!p0 $0x108  }
0x21: {  	s3 =	sadd.s32 s3, s9;
	s6 =	sadd.s32 @!p0 $0x88, s6;
	s7 =	simm.s32 @p2 $0x1082  }
0x22: {  	[simem:s7], [sflag:s8] =	dma.local @!p0 [hbm:s6], $0xF7A  }
0x23: {  	s9 =	sor.u32 $0xD0000000, s2;
	s6 =	simm.s32 $0x108;
	_ =	swait.ge @!p0 [sflag:s8], $0x0  }
0x24: {  	s3 =	sadd.s32 $0x88, s3;
	s6 =	simm.s32 @!p1 $0x1082;
	[sflag:s4] =	ssyncset.s32 $0xFFFFF086  }
0x25: {  	[simem:s6], [sflag:s4] =	dma.local [hbm:s3], $0xF7A  }
0x26: {  	[smem:$0x3F9E] =	sst s1;
	(tag) =	ssettag s2;
	_ =	strace s9  }
0x27: {  	s1 =	sld [smem:$0x3FAE]  }
0x28: {  	s2 =	sld [smem:$0x3FAF]  }
0x29: {  	s4 =	sld [smem:$0x3FB1]  }
0x2a: {  	p0 =	seq.s32 s5, $0x0;
	s5 =	sld [smem:$0x3FB2]  }
0x2b: {  	s6 =	sld [smem:$0x3FB3]  }
0x2c: {  	s7 =	sld [smem:$0x3FB4]  }
0x2d: {  	s3 =	simm.s32 $0x108;
	s8 =	sld [smem:$0x3FB5]  }
0x2e: {  	s3 =	simm.s32 @!p0 $0x1082;
	s9 =	sld [smem:$0x3FB6]  }
0x2f: {  	lr =	sadd.s32 s0, s3;
	s0 =	sld [smem:$0x3FAD]  }
0x30: {  	s3 =	sld [smem:$0x3FB0]  }
0x31: {  	[smem:$0x3FB9] =	sst s10  }
0x32: {  	s10 =	sld [smem:$0x3FB7];
	_ =	sdelay $0x3  }
0x33: {  	p0 =	seq.s32 s10, $0x1;
	s10 =	sld [smem:$0x3FB9];
	_ =	sdelay $0x3  }
0x34: {  	[smem:$0x3FB9] =	sst s10  }
0x35: {  	s10 =	sld [smem:$0x3FB8];
	_ =	sdelay $0x3  }
0x36: {  	p1 =	seq.s32 s10, $0x1;
	s10 =	sld [smem:$0x3FB9];
	_ =	sdelay $0x3  }
0x37: {  	[smem:$0x3FB9] =	sst s10  }
0x38: {  	s10 =	sld [smem:$0x3FBA]  }
0x39: {  	_ = 	snop;
	(pc) =	sbr.ind lr, $3  }
0x3a: {  	_ = 	snop  }
0x3b: {  	_ = 	snop  }
0x3c: {  	p2 =	seq.s32 s10, $0x1;
	s10 =	sld [smem:$0x3FB9]  }
0x3d: {  	_ =	shalt  }
0x3e: {  	_ =	shalt  }
0x3f: {  	_ =	shalt  }
0x40: {  	_ =	shalt  }
0x41: {  	_ =	shalt  }
0x42: {  	_ =	shalt  }
0x43: {  	_ =	shalt  }
0x44: {  	_ =	shalt  }
0x45: {  	_ =	shalt  }
0x46: {  	_ =	shalt  }
0x47: {  	_ =	shalt  }
0x48: {  	_ =	shalt  }
0x49: {  	_ =	shalt  }
0x4a: {  	_ =	shalt  }
0x4b: {  	_ =	shalt  }
0x4c: {  	_ =	shalt  }
0x4d: {  	_ =	shalt  }
0x4e: {  	_ =	shalt  }
0x4f: {  	_ =	shalt  }
0x50: {  	_ =	shalt  }
0x51: {  	_ =	shalt  }
0x52: {  	_ =	shalt  }
0x53: {  	_ =	shalt  }
0x54: {  	_ =	shalt  }
0x55: {  	_ =	shalt  }
0x56: {  	_ =	shalt  }
0x57: {  	_ =	shalt  }
0x58: {  	_ =	shalt  }
0x59: {  	_ =	shalt  }
0x5a: {  	_ =	shalt  }
0x5b: {  	_ =	shalt  }
0x5c: {  	_ =	shalt  }
0x5d: {  	_ =	shalt  }
0x5e: {  	_ =	shalt  }
0x5f: {  	_ =	shalt  }
0x60: {  	_ =	shalt  }
0x61: {  	_ =	shalt  }
0x62: {  	_ =	shalt  }
0x63: {  	_ =	shalt  }
0x64: {  	_ =	shalt  }
0x65: {  	_ =	shalt  }
0x66: {  	_ =	shalt  }
0x67: {  	_ =	shalt  }
0x68: {  	_ =	shalt  }
0x69: {  	_ =	shalt  }
0x6a: {  	_ =	shalt  }
0x6b: {  	_ =	shalt  }
0x6c: {  	_ =	shalt  }
0x6d: {  	_ =	shalt  }
0x6e: {  	_ =	shalt  }
0x6f: {  	_ =	shalt  }
0x70: {  	_ =	shalt  }
0x71: {  	_ =	shalt  }
0x72: {  	_ =	shalt  }
0x73: {  	_ =	shalt  }
0x74: {  	_ =	shalt  }
0x75: {  	_ =	shalt  }
0x76: {  	_ =	shalt  }
0x77: {  	_ =	shalt  }
0x78: {  	_ =	shalt  }
0x79: {  	_ =	shalt  }
0x7a: {  	_ =	shalt  }
0x7b: {  	_ =	shalt  }
0x7c: {  	_ =	shalt  }
0x7d: {  	_ =	shalt  }
0x7e: {  	_ =	shalt  }
0x7f: {  	_ =	shalt  }
0x80: {  	_ =	shalt  }
0x81: {  	_ =	shalt  }
0x82: {  	_ =	shalt  }
0x83: {  	_ =	shalt  }
0x84: {  	_ =	shalt  }
0x85: {  	_ =	shalt  }
0x86: {  	_ =	shalt  }
0x87: {  	_ =	shalt  }
.Lfunc_end0:
.L_simem_size_0:
called_computation_lowered:
.L_overlay_start_0:
0x88: {  	s0 =	sld [smem:$0x3FD9]  }
0x89: {  	s1 =	sld [smem:$0x3FFE];
	_ =	sdelay $0x3  }
0x8a: {  	s0 =	sadd.s32 s1, s0  }
0x8b: {  	[smem:$0x3FC5] =	sst s0  }
0x8c: {  	_ = 	snop  }
0x8d: {  	s0 =	sld [smem:$0x3FC9]  }
0x8e: {  	s17 =	sld [smem:$0x3FC8]  }
0x8f: {  	s2 =	sld [smem:$0x3FC7]  }
0x90: {  	s3 =	sld [smem:$0x3FD0];
	(tm) =	ssettm $0x1  }
0x91: {  	s4 =	sld [smem:$0x3FFB];
	_ =	sdelay $0x3  }
0x92: {  	_ =	strace s4  }
0x93: {  	s4 =	sld [smem:$0x3FFC];
	_ =	sdelay $0x3  }
0x94: {  	_ =	strace s4  }
0x95: {  	s4 =	sld [smem:$0x3FFD];
	_ =	sdelay $0x3  }
0x96: {  	_ =	strace s4  }
0x97: {  	_ =	strace $0x8FFFFFFF  }
0x98: {  	s18 =	sld [smem:$0x3FDB];
	_ =	sdelay $0x1  }
0x99: {  	s5 =	simm.s32 $_scs_section_size  }
0x9a: {  	s6 =	simm.s32 $_size__tile_overlayer_lowered;
	s7 =	simm.s32 $_tile_overlayer_lowered  }
0x9b: {  	s21 =	simm.s32 $0x1BFF;
	s20 =	sshll.u32 s7, $0x1;
	s4 =	sadd.s32 s5, s18  }
0x9c: {  	s8 =	simm.s32 $0x0;
	s19 =	sshll.u32 s6, $0x1;
	s6 =	sadd.s32 s20, s4  }
0x9d: {  	[timem:s8], [sflag:s21] =	dma.local [hbm:s6], s19  }
0x9e: {  	_ =	swait.ge [sflag:s21], s19  }
0x9f: {  	s5 =	ssub.s32 $0x0, s19;
	[sflag:s21] =	ssyncset.done $0x0  }
0xa0: {  	[sflag:s21] =	ssyncadd.s32 s5;
	_ =	sdelay $0x1  }
0xa1: {  	s22 =	simm.s32 $0x1B8B  }
0xa2: {  	_ =	swait.ge [sflag:s22], $0x1  }
0xa3: {  	[sflag:s22] =	ssyncset.done $0x0  }
0xa4: {  	s23 =	simm.s32 $0x1B8E;
	[sflag:s22] =	ssyncadd.s32 $0xFFFFFFFF  }
0xa5: {  	s24 =	simm.s32 $execute0_lowered;
	[smem:$0x3FD2] =	sst s23  }
0xa6: {  	s5 =	sshll.u32 s24, $0x1;
	_ =	strace $0x80000046;
	[dreg:$0x1] =	wrdreg $0xFFFFFFFF  }
0xa7: {  	s25 =	simm.s32 $_size_execute0_lowered;
	s4 =	sadd.s32 s4, s5;
	[dreg:$0x0] =	wrdreg $0x0  }
0xa8: {  	s5 =	sshll.u32 s25, $0x1;
	[dreg:$0x2] =	wrdreg s4  }
0xa9: {  	[dreg:$0x3] =	wrdreg s5  }
0xaa: {  	[dreg:$0x4] =	wrdreg $0xC0  }
0xab: {  	_ =	task [dreg:s8], $0x5FFFF  }
0xac: {  	[dreg:$0x1] =	wrdreg $0xFFFFFFFF  }
0xad: {  	[dreg:$0x0] =	wrdreg $0x60  }
0xae: {  	[dreg:$0x2] =	wrdreg s0  }
0xaf: {  	[dreg:$0x3] =	wrdreg s17  }
0xb0: {  	[dreg:$0x4] =	wrdreg s2  }
0xb1: {  	[dreg:$0x5] =	wrdreg s3  }
0xb2: {  	[dreg:$0x6] =	wrdreg $0x9  }
0xb3: {  	_ =	task.clear_ibuf [dreg:s8], $0x7FFFF;
	_ =	strace $0x90000046  }
0xb4: {  	s26 =	simm.s32 $0x9;
	_ =	strace $0x80000048  }
0xb5: {  	_ =	swait.ge [sflag:s26], $0x1  }
0xb6: {  	[sflag:s26] =	ssyncadd.s32 $0xFFFFFFFF  }
0xb7: {  	_ =	strace $0x90000048  }
0xb8: {  	_ =	sfence  }
0xb9: {  	s28 =	sld [smem:$0x0];
	_ =	sdelay $0x1  }
0xba: {  	s29 =	srdreg.scid  }
0xbb: {  	s30 =	sshll.u32 s29, $0xD;
	s31 =	sshrl.u32 s29, $0x2  }
0xbc: {  	s1 =	sand.u32 $0x1, s29;
	s2 =	sand.u32 $0x4000, s30;
	s0 =	sadd.s32 s31, s28  }
0xbd: {  	s1 =	sor.u32 s2, s1;
	s0 =	sshll.u32 s0, $0x11  }
0xbe: {  	s0 =	sor.u32 s0, s1  }
0xbf: {  	s0 =	sadd.s32 $0x8F2B, s0  }
0xc0: {  	[sflag:s0] =	ssyncadd.remote.s32 $0x1  }
0xc1: {  	_ =	sfence.sel $0xFFFF  }
0xc2: {  	[dreg:$0x0] =	wrdreg $0xFFFFFFFF;
	(pc) =	sbr.abs _section_cstart, $3  }
0xc3: {  	[dreg:$0x1] =	wrdreg $0xFFFFFFFF  }
0xc4: {  	_ =	task.clear_ibuf [dreg:s8], $0x2FFFF;
	_ =	strace $0x9FFFFFFF  }
0xc5: {  	(tm) =	ssettm $0x7FFFFFFF  }
tec
execute0_lowered:
.L_overlay_start_1:
0x0: {  	(tag) =	ssettag $0x1  }
0x1: {  	s1 =	stileid.u32  }
0x2: {  	s5 =	rddreg [dreg:$0x0];
	p0 =	sgt.u32 s1, $0x3  }
.Ltmp0:
0x3: {  	s7 =	rddreg [dreg:$0x1];
	(pc) =	sbr.rel @p0 .LBB2_2-.Ltmp0, $4  }
0x4: {  	s6 =	rddreg [dreg:$0x2]  }
0x5: {  	s2 =	rddreg [dreg:$0x3];
	s3 =	simm.s32 $0x0  }
0x6: {  	[smem:$0x7FF] =	sst s3  }
0x7: {  	s0 =	rddreg [dreg:$0x4];
	_ =	strace $0x80000047  }
0x8: {  	s4 =	sshll.u32 s1, $0x7  }
0x9: {  	s8 =	simm.s32 $0x480;
	s6 =	sadd.s32 s6, s4  }
0xa: {  	[tilespmem:s8], [sflag:$0x2] =	stream.linear.gather [hbm4b:s6+s3], $0x400, $0x38;
	[tilespmem:$0x880] =	vst v63  }
0xb: {  	s5 =	sadd.s32 s5, s1;
	s26 =	simm.s32 $0x3  }
0xc: {  	[tilespmem:s3], [sflag:$0x3] =	stream.linear.gather [hbm4b:s5+s3], $0x8, $0x38;
	[tilespmem:$0x880] =	vst v63  }
0xd: {  	_ =	swait.ge [sflag:s26], $0x8  }
0xe: {  	s28 =	simm.s32 $0x8;
	[sflag:s26] =	ssyncset.done $0x0  }
0xf: {  	s29 =	simm.s32 $0x80;
	s30 =	simm.s32 $0x2;
	[sflag:s26] =	ssyncadd.s32 $0xFFFFFFF8  }
0x10: {  	[tilespmem:s29], [sflag:$0x1] =	stream.indirect.gather [hbm4b:s7+s28], $0x80, s3, s28, $0xb8;
	[tilespmem:$0x880] =	vst v63  }
0x11: {  	_ =	swait.ge [sflag:s30], $0x400  }
0x12: {  	[sflag:s30] =	ssyncset.done $0x0  }
0x13: {  	s31 =	simm.s32 $0x1;
	[sflag:s30] =	ssyncadd.s32 $0xFFFFFC00  }
0x14: {  	_ =	swait.ge [sflag:s31], $0x400  }
0x15: {  	[sflag:s31] =	ssyncset.done $0x0  }
0x16: {  	[sflag:s31] =	ssyncadd.s32 $0xFFFFFC00  }
0x17: {  	v0 =	vld [tilespmem:$0x80]  }
0x18: {  	v1 =	vld [tilespmem:$0x480]  }
0x19: {  	v2 =	vld [tilespmem:$0x90]  }
0x1a: {  	v3 =	vld [tilespmem:$0x490]  }
0x1b: {  	v4 =	vld [tilespmem:$0xA0]  }
0x1c: {  	v5 =	vld [tilespmem:$0x4A0]  }
0x1d: {  	v6 =	vld [tilespmem:$0xB0]  }
0x1e: {  	v7 =	vld [tilespmem:$0x4B0]  }
0x1f: {  	v8 =	vld [tilespmem:$0xC0]  }
0x20: {  	v9 =	vld [tilespmem:$0x4C0]  }
0x21: {  	v10 =	vld [tilespmem:$0xD0]  }
0x22: {  	v11 =	vld [tilespmem:$0x4D0]  }
0x23: {  	v12 =	vld [tilespmem:$0xE0]  }
0x24: {  	v13 =	vld [tilespmem:$0x4E0]  }
0x25: {  	v14 =	vld [tilespmem:$0xF0]  }
0x26: {  	v15 =	vld [tilespmem:$0x4F0]  }
0x27: {  	v16 =	vld [tilespmem:$0x100]  }
0x28: {  	v17 =	vld [tilespmem:$0x500]  }
0x29: {  	v18 =	vld [tilespmem:$0x110]  }
0x2a: {  	v19 =	vld [tilespmem:$0x510]  }
0x2b: {  	v20 =	vld [tilespmem:$0x120]  }
0x2c: {  	v21 =	vld [tilespmem:$0x520]  }
0x2d: {  	v22 =	vld [tilespmem:$0x130]  }
0x2e: {  	v23 =	vld [tilespmem:$0x530]  }
0x2f: {  	v24 =	vld [tilespmem:$0x140]  }
0x30: {  	v25 =	vld [tilespmem:$0x540]  }
0x31: {  	v26 =	vld [tilespmem:$0x150]  }
0x32: {  	v27 =	vld [tilespmem:$0x550]  }
0x33: {  	v28 =	vld [tilespmem:$0x160]  }
0x34: {  	v29 =	vld [tilespmem:$0x560]  }
0x35: {  	v30 =	vld [tilespmem:$0x170]  }
0x36: {  	v31 =	vld [tilespmem:$0x570]  }
0x37: {  	v32 =	vld [tilespmem:$0x180]  }
0x38: {  	v33 =	vld [tilespmem:$0x580]  }
0x39: {  	v34 =	vld [tilespmem:$0x190]  }
0x3a: {  	v35 =	vld [tilespmem:$0x590]  }
0x3b: {  	v36 =	vld [tilespmem:$0x1A0]  }
0x3c: {  	v37 =	vld [tilespmem:$0x5A0]  }
0x3d: {  	v38 =	vld [tilespmem:$0x1B0]  }
0x3e: {  	v39 =	vld [tilespmem:$0x5B0]  }
0x3f: {  	v40 =	vld [tilespmem:$0x1C0]  }
0x40: {  	v41 =	vld [tilespmem:$0x5C0]  }
0x41: {  	v42 =	vld [tilespmem:$0x1D0]  }
0x42: {  	v43 =	vld [tilespmem:$0x5D0]  }
0x43: {  	v44 =	vld [tilespmem:$0x1E0]  }
0x44: {  	v45 =	vld [tilespmem:$0x5E0]  }
0x45: {  	v46 =	vld [tilespmem:$0x1F0]  }
0x46: {  	v47 =	vld [tilespmem:$0x5F0]  }
0x47: {  	v48 =	vld [tilespmem:$0x200]  }
0x48: {  	v49 =	vld [tilespmem:$0x600]  }
0x49: {  	v50 =	vld [tilespmem:$0x210]  }
0x4a: {  	v51 =	vld [tilespmem:$0x610]  }
0x4b: {  	v52 =	vld [tilespmem:$0x220]  }
0x4c: {  	v53 =	vld [tilespmem:$0x620]  }
0x4d: {  	v54 =	vld [tilespmem:$0x230]  }
0x4e: {  	v55 =	vld [tilespmem:$0x630]  }
0x4f: {  	v56 =	vld [tilespmem:$0x240]  }
0x50: {  	v57 =	vld [tilespmem:$0x640]  }
0x51: {  	v58 =	vld [tilespmem:$0x250]  }
0x52: {  	v62 =	vld [tilespmem:$0x270]  }
0x53: {  	v59 =	vld [tilespmem:$0x650]  }
0x54: {  	v60 =	vld [tilespmem:$0x260]  }
0x55: {  	v61 =	vld [tilespmem:$0x660]  }
0x56: {  	v63 =	vld [tilespmem:$0x670]  }
0x57: {  	[tilespmem:$0x1FFA0] =	vst v62;
	v62 =	vld [tilespmem:$0x280]  }
0x58: {  	v0 =	vadd.f32 v1, v0;
	v1 =	vld [tilespmem:$0x6A0]  }
0x59: {  	v2 =	vadd.f32 v3, v2;
	v3 =	vld [tilespmem:$0x2B0]  }
0x5a: {  	v9 =	vadd.f32 v9, v8;
	v8 =	vld [tilespmem:$0x6D0]  }
0x5b: {  	v13 =	vadd.f32 v13, v12;
	v12 =	vld [tilespmem:$0x6F0]  }
0x5c: {  	v15 =	vadd.f32 v15, v14;
	v14 =	vld [tilespmem:$0x700]  }
0x5d: {  	v17 =	vadd.f32 v17, v16;
	v16 =	vld [tilespmem:$0x710]  }
0x5e: {  	v19 =	vadd.f32 v19, v18;
	v18 =	vld [tilespmem:$0x720]  }
0x5f: {  	v23 =	vadd.f32 v23, v22;
	v22 =	vld [tilespmem:$0x740];
	[tilespmem:$0x80] =	vst v0  }
0x60: {  	v25 =	vadd.f32 v25, v24;
	v24 =	vld [tilespmem:$0x750];
	[tilespmem:$0x90] =	vst v2  }
0x61: {  	v21 =	vadd.f32 v21, v20;
	v27 =	vadd.f32 v27, v26;
	v26 =	vld [tilespmem:$0x760];
	[tilespmem:$0xC0] =	vst v9  }
0x62: {  	v31 =	vadd.f32 v31, v30;
	v30 =	vadd.f32 v45, v44;
	v45 =	vld [tilespmem:$0x7B0];
	[tilespmem:$0xE0] =	vst v13  }
0x63: {  	v33 =	vadd.f32 v33, v32;
	v32 =	vadd.f32 v49, v48;
	v49 =	vld [tilespmem:$0x7C0];
	[tilespmem:$0xF0] =	vst v15  }
0x64: {  	v35 =	vadd.f32 v35, v34;
	v34 =	vadd.f32 v53, v52;
	v53 =	vld [tilespmem:$0x7D0];
	[tilespmem:$0x100] =	vst v17  }
0x65: {  	v37 =	vadd.f32 v37, v36;
	v36 =	vadd.f32 v57, v56;
	v57 =	vld [tilespmem:$0x7E0];
	[tilespmem:$0x110] =	vst v19  }
0x66: {  	v0 =	vadd.f32 v5, v4;
	v4 =	vld [tilespmem:$0x6B0];
	[tilespmem:$0x120] =	vst v21  }
0x67: {  	v5 =	vld [tilespmem:$0x2C0];
	[tilespmem:$0x130] =	vst v23  }
0x68: {  	v29 =	vadd.f32 v29, v28;
	v9 =	vld [tilespmem:$0x2E0];
	[tilespmem:$0x140] =	vst v25  }
0x69: {  	v13 =	vld [tilespmem:$0x300];
	[tilespmem:$0x150] =	vst v27  }
0x6a: {  	v15 =	vld [tilespmem:$0x310];
	[tilespmem:$0x160] =	vst v29  }
0x6b: {  	v17 =	vld [tilespmem:$0x320];
	[tilespmem:$0x170] =	vst v31  }
0x6c: {  	v19 =	vld [tilespmem:$0x330];
	[tilespmem:$0x180] =	vst v33  }
0x6d: {  	v28 =	vadd.f32 v41, v40;
	[tilespmem:$0x190] =	vst v35;
	v21 =	vld [tilespmem:$0x340]  }
0x6e: {  	[tilespmem:$0x1A0] =	vst v37;
	v23 =	vld [tilespmem:$0x350]  }
0x6f: {  	[tilespmem:$0x1C0] =	vst v28;
	v25 =	vld [tilespmem:$0x360]  }
0x70: {  	[tilespmem:$0x1E0] =	vst v30;
	v28 =	vld [tilespmem:$0x770]  }
0x71: {  	[tilespmem:$0x200] =	vst v32;
	v30 =	vld [tilespmem:$0x780]  }
0x72: {  	[tilespmem:$0x220] =	vst v34;
	v32 =	vld [tilespmem:$0x790]  }
0x73: {  	v27 =	vadd.f32 v39, v38;
	[tilespmem:$0x240] =	vst v36;
	v39 =	vld [tilespmem:$0x1FFA0]  }
0x74: {  	v34 =	vld [tilespmem:$0x7A0];
	[tilespmem:$0xA0] =	vst v0  }
0x75: {  	v29 =	vadd.f32 v43, v42;
	v31 =	vadd.f32 v47, v46;
	v47 =	vld [tilespmem:$0x3C0];
	[tilespmem:$0x1B0] =	vst v27  }
0x76: {  	[tilespmem:$0x1FFB0] =	vst v62;
	v62 =	vld [tilespmem:$0x680]  }
0x77: {  	v33 =	vadd.f32 v51, v50;
	v51 =	vld [tilespmem:$0x3D0];
	[tilespmem:$0x1D0] =	vst v29  }
0x78: {  	v35 =	vadd.f32 v55, v54;
	v55 =	vld [tilespmem:$0x3E0];
	[tilespmem:$0x1F0] =	vst v31  }
0x79: {  	v37 =	vadd.f32 v59, v58;
	v59 =	vld [tilespmem:$0x3F0];
	[tilespmem:$0x210] =	vst v33  }
0x7a: {  	v38 =	vadd.f32 v61, v60;
	v61 =	vld [tilespmem:$0x7F0];
	[tilespmem:$0x230] =	vst v35  }
0x7b: {  	[tilespmem:$0x1FFC0] =	vst v62;
	v62 =	vld [tilespmem:$0x290]  }
0x7c: {  	v27 =	vld [tilespmem:$0x370];
	[tilespmem:$0x250] =	vst v37;
	v2 =	vadd.f32 v63, v39  }
0x7d: {  	v29 =	vld [tilespmem:$0x380];
	[tilespmem:$0x260] =	vst v38;
	v46 =	vadd.f32 v4, v3  }
0x7e: {  	v31 =	vld [tilespmem:$0x390];
	[tilespmem:$0x270] =	vst v2  }
0x7f: {  	v33 =	vld [tilespmem:$0x3A0];
	v56 =	vadd.f32 v14, v13;
	[tilespmem:$0x2B0] =	vst v46  }
0x80: {  	v58 =	vadd.f32 v16, v15;
	[tilespmem:$0x1FFD0] =	vst v62;
	v62 =	vld [tilespmem:$0x690]  }
0x81: {  	v35 =	vld [tilespmem:$0x3B0];
	v60 =	vadd.f32 v18, v17;
	[tilespmem:$0x300] =	vst v56  }
0x82: {  	v37 =	vld [tilespmem:$0x420];
	v21 =	vadd.f32 v22, v21;
	[tilespmem:$0x310] =	vst v58  }
0x83: {  	v40 =	vld [tilespmem:$0x1FFB0];
	[tilespmem:$0x320] =	vst v60  }
0x84: {  	v23 =	vadd.f32 v24, v23;
	[tilespmem:$0x340] =	vst v21;
	v41 =	vld [tilespmem:$0x1FFC0]  }
0x85: {  	v25 =	vadd.f32 v26, v25;
	[tilespmem:$0x1FFE0] =	vst v62;
	v62 =	vld [tilespmem:$0x2A0]  }
0x86: {  	[tilespmem:$0x350] =	vst v23;
	v36 =	vadd.f32 v28, v27;
	v42 =	vld [tilespmem:$0x1FFD0]  }
0x87: {  	[tilespmem:$0x360] =	vst v25;
	v38 =	vadd.f32 v30, v29;
	v43 =	vld [tilespmem:$0x1FFE0]  }
0x88: {  	v63 =	vld [tilespmem:$0x400];
	[tilespmem:$0x370] =	vst v36  }
0x89: {  	v22 =	vld [tilespmem:$0x800];
	[tilespmem:$0x380] =	vst v38;
	v0 =	vadd.f32 v41, v40  }
0x8a: {  	v40 =	vadd.f32 v32, v31;
	[tilespmem:$0x1FFF0] =	vst v62;
	v62 =	vadd.f32 v7, v6;
	v6 =	vld [tilespmem:$0x6C0]  }
0x8b: {  	[tilespmem:$0x280] =	vst v0;
	v7 =	vld [tilespmem:$0x2D0]  }
0x8c: {  	[tilespmem:$0x390] =	vst v40;
	v2 =	vadd.f32 v43, v42;
	v44 =	vld [tilespmem:$0x1FFF0]  }
0x8d: {  	v24 =	vld [tilespmem:$0x410];
	v42 =	vadd.f32 v34, v33;
	[tilespmem:$0xB0] =	vst v62  }
0x8e: {  	v26 =	vld [tilespmem:$0x810];
	v62 =	vadd.f32 v11, v10;
	[tilespmem:$0x290] =	vst v2  }
0x8f: {  	v39 =	vld [tilespmem:$0x820];
	[tilespmem:$0x3A0] =	vst v42;
	v48 =	vadd.f32 v6, v5  }
0x90: {  	v46 =	vld [tilespmem:$0x840];
	[tilespmem:$0xD0] =	vst v62;
	v50 =	vadd.f32 v8, v7  }
0x91: {  	v56 =	vld [tilespmem:$0x470];
	v0 =	vadd.f32 v1, v44;
	[tilespmem:$0x2C0] =	vst v48  }
0x92: {  	v58 =	vld [tilespmem:$0x870];
	v1 =	vadd.f32 v45, v35;
	[tilespmem:$0x2D0] =	vst v50  }
0x93: {  	v41 =	vld [tilespmem:$0x430];
	v45 =	vadd.f32 v49, v47;
	[tilespmem:$0x2A0] =	vst v0  }
0x94: {  	v10 =	vld [tilespmem:$0x6E0];
	v47 =	vadd.f32 v53, v51;
	[tilespmem:$0x3B0] =	vst v1  }
0x95: {  	v11 =	vld [tilespmem:$0x2F0];
	v49 =	vadd.f32 v57, v55;
	[tilespmem:$0x3C0] =	vst v45  }
0x96: {  	v43 =	vld [tilespmem:$0x830];
	v51 =	vadd.f32 v61, v59;
	[tilespmem:$0x3D0] =	vst v47  }
0x97: {  	v62 =	vld [tilespmem:$0x730];
	v53 =	vadd.f32 v22, v63;
	[tilespmem:$0x3E0] =	vst v49  }
0x98: {  	v44 =	vld [tilespmem:$0x440];
	v55 =	vadd.f32 v26, v24;
	[tilespmem:$0x3F0] =	vst v51  }
0x99: {  	v52 =	vadd.f32 v10, v9;
	v48 =	vld [tilespmem:$0x450];
	[tilespmem:$0x400] =	vst v53  }
0x9a: {  	v54 =	vadd.f32 v12, v11;
	v50 =	vld [tilespmem:$0x850];
	[tilespmem:$0x410] =	vst v55  }
0x9b: {  	v57 =	vadd.f32 v39, v37;
	[tilespmem:$0x2E0] =	vst v52;
	v52 =	vld [tilespmem:$0x460]  }
0x9c: {  	v59 =	vadd.f32 v43, v41;
	[tilespmem:$0x2F0] =	vst v54;
	v54 =	vld [tilespmem:$0x860]  }
0x9d: {  	v63 =	vadd.f32 v58, v56;
	[tilespmem:$0x420] =	vst v57  }
0x9e: {  	[tilespmem:$0x430] =	vst v59;
	v62 =	vadd.f32 v62, v19  }
0x9f: {  	[tilespmem:$0x470] =	vst v63;
	v60 =	vadd.f32 v46, v44  }
0xa0: {  	[tilespmem:$0x330] =	vst v62;
	v61 =	vadd.f32 v50, v48  }
0xa1: {  	[tilespmem:$0x440] =	vst v60;
	v62 =	vadd.f32 v54, v52  }
0xa2: {  	[tilespmem:$0x450] =	vst v61  }
0xa3: {  	s2 =	sadd.s32 s2, s4;
	[tilespmem:$0x460] =	vst v62  }
0xa4: {  	[hbm4b:s2+s3] =	stream.linear.scatter [tilespmem:s29], [sflag:$0x3], $0x400, $0x38;
	[tilespmem:$0x880] =	vst v63  }
0xa5: {  	_ =	swait.ge [sflag:s26], $0x400  }
0xa6: {  	[sflag:s26] =	ssyncset.done $0x0  }
0xa7: {  	[sflag:s26] =	ssyncadd.s32 $0xFFFFFC00  }
.LBB2_2:
0xa8: {  	_ =	sfence.sel $0x180000  }
0xa9: {  	[bflag:$0x0] =	sbarrier.arrive $0xFFFF  }
0xaa: {  	p0 =	sne.s32 s1, $0x0;
	_ =	strace $0x90000047  }
0xab: {  	s0 =	sadd.s32 @!p0 $0x100000, s0;
	[bflag:$0x2] =	sbarrier.arrive $0xFFFF  }
0xac: {  	[sflag:s0] =	ssyncadd.tile.s32 @!p0 $0x1;
	_ =	shalt  }
.Lfunc_end2:
_tile_overlayer_lowered:
.L_overlay_start_2:
0xad: {  	(tag) =	ssettag $0x2  }
0xae: {  	s0 =	rddreg [dreg:$0x0];
	s2 =	stileid.u32  }
0xaf: {  	s1 =	rddreg [dreg:$0x1];
	p0 =	sne.s32 s2, $0x0  }
0xb0: {  	s3 =	rddreg [dreg:$0x2];
	[bflag:$0x3] =	sbarrier.arrive $0xFFFF;
	s2 =	simm.s32 @!p0 $0x1C03  }
0xb1: {  	[timem:s3], [sflag:s2] =	dma.local @!p0 [hbm:s0], s1  }
0xb2: {  	s0 =	simm.s32 @!p0 $0x3  }
0xb3: {  	_ =	swait.ge @!p0 [sflag:s0], s1  }
0xb4: {  	s1 =	ssub.s32 @!p0 $0x0, s1;
	[sflag:s0] =	ssyncset.done @!p0 $0x0  }
0xb5: {  	[sflag:s0] =	ssyncadd.s32 @!p0 s1  }
0xb6: {  	[bflag:$0x3] =	sbarrier.arrive $0xFFFF  }
0xb7: {  	_ =	shalt  }

</sc_bundles>
